<compile_context>
chip_gen: v7x
topology: tpu7x:2x2x1
jax: 0.10.2.dev20260603
libtpu: 0.0.44.dev20260713+nightly
codegen_flags: <defaults>
</compile_context>

<pallas_src>
import functools

import jax
import jax.numpy as jnp
from jax import lax
from jax.experimental import pallas as pl
from jax.experimental.pallas import tpu as pltpu
from jax.experimental.pallas import tpu_sc as plsc

NC = 2
NS = 16
CH = 80


def _linear_split(x, W, b, blk=1000):
    n, d = x.shape
    dh = d // NC

    def body(x_ref, w_ref, b_ref, o_ref):
        o_ref[...] = lax.dot_general(
            x_ref[...], w_ref[...], (((1,), (1,)), ((), ())),
            preferred_element_type=jnp.float32) + b_ref[0]

    nb = n // blk
    return pl.pallas_call(
        body,
        grid=(nb, NC),
        in_specs=[
            pl.BlockSpec((blk, d), lambda i, p: (i, 0)),
            pl.BlockSpec((dh, d), lambda i, p: (p, 0)),
            pl.BlockSpec((1, 1, dh), lambda i, p: (p, 0, 0)),
        ],
        out_specs=pl.BlockSpec((blk, dh), lambda i, p: (p * nb + i, 0)),
        out_shape=jax.ShapeDtypeStruct((NC * n, dh), jnp.float32),
    )(x, W, b.reshape(NC, 1, dh))


def _build_scatter(n, e, dh):
    ept = e // NS
    nchunk = ept // CH
    rpt = n // NS
    zr = 125
    nz = rpt // zr

    @functools.partial(
        pl.kernel,
        out_type=jax.ShapeDtypeStruct((n, NC * dh), jnp.float32),
        mesh=plsc.VectorSubcoreMesh(core_axis_name="c", subcore_axis_name="s"),
        scratch_types=[
            pltpu.VMEM((ept,), jnp.int32),
            pltpu.VMEM((nchunk, CH), jnp.int32),
            pltpu.VMEM((ept,), jnp.float32),
            pltpu.VMEM((3, CH, dh), jnp.float32),
            pltpu.VMEM((zr, dh), jnp.float32),
            pltpu.VMEM_SHARED((n, dh), jnp.float32),
            pltpu.SemaphoreType.DMA,
            pltpu.SemaphoreType.DMA,
            pltpu.SemaphoreType.DMA,
            pltpu.SemaphoreType.DMA,
            pltpu.SemaphoreType.DMA,
            pltpu.SemaphoreType.DMA,
        ],
        compiler_params=pltpu.CompilerParams(use_tc_tiling_on_sc=False),
    )
    def sc_scatter(h2, col_h, row_h, w_h, out_h, col_v, row_v, w_v, buf2, zb,
                   acc, gsem0, gsem1, gsem2, ssem0, ssem1, ssem2):
        gsem = (gsem0, gsem1, gsem2)
        ssem = (ssem0, ssem1, ssem2)
        c = lax.axis_index("c")
        s = lax.axis_index("s")
        zero16 = jnp.zeros((16,), jnp.float32)

        def zrow(i, carry):
            for q in range(dh // 16):
                zb[i, pl.ds(q * 16, 16)] = zero16
            return carry
        lax.fori_loop(0, zr, zrow, None)
        for k in range(nz):
            pltpu.sync_copy(zb, acc.at[pl.ds(s * rpt + k * zr, zr)])

        base = s * ept
        pltpu.sync_copy(col_h.at[pl.ds(base, ept)], col_v)
        pltpu.sync_copy(row_h.at[s], row_v)
        pltpu.sync_copy(w_h.at[pl.ds(base, ept)], w_v)

        shift = jnp.full((16,), c * n, jnp.int32)

        def sh(i, carry):
            col_v[pl.ds(i * 16, 16)] = col_v[pl.ds(i * 16, 16)] + shift
            return carry
        lax.fori_loop(0, ept // 16, sh, None)

        plsc.subcore_barrier()

        def start_gather(j, p):
            pltpu.async_copy(h2.at[col_v.at[pl.ds(j * CH, CH)]], buf2.at[p],
                             gsem[p])

        def wait_gather(j, p):
            pltpu.make_async_copy(h2.at[col_v.at[pl.ds(j * CH, CH)]],
                                  buf2.at[p], gsem[p]).wait()

        def start_scatter(j, p):
            pltpu.async_copy(buf2.at[p], acc.at[row_v.at[j]], ssem[p],
                             add=True)

        def wait_scatter(j, p):
            pltpu.make_async_copy(buf2.at[p], acc.at[row_v.at[j]],
                                  ssem[p]).wait()

        def scale(j, p):
            for g in range(0):
                wg = w_v[pl.ds(j * CH + g * 16, 16)]
                for t in range(16):
                    wv = lax.gather(
                        wg, jnp.full((16, 1), t, jnp.int32),
                        lax.GatherDimensionNumbers(
                            offset_dims=(), collapsed_slice_dims=(0,),
                            start_index_map=(0,)),
                        slice_sizes=(1,),
                        mode=lax.GatherScatterMode.PROMISE_IN_BOUNDS)
                    r = g * 16 + t
                    for q in range(dh // 16):
                        buf2[p, r, pl.ds(q * 16, 16)] = (
                            buf2[p, r, pl.ds(q * 16, 16)] * wv)

        def steady(j, p):
            wait_scatter(j - 1, (p + 2) % 3)
            start_gather(j + 2, (p + 2) % 3)
            wait_gather(j, p)
            scale(j, p)
            start_scatter(j, p)

        start_gather(jnp.int32(0), 0)
        start_gather(jnp.int32(1), 1)
        start_gather(jnp.int32(2), 2)
        wait_gather(jnp.int32(0), 0)
        scale(jnp.int32(0), 0)
        start_scatter(jnp.int32(0), 0)

        ntrip = (nchunk - 3) // 3
        def trip(jj, carry):
            steady(3 * jj + 1, 1)
            steady(3 * jj + 2, 2)
            steady(3 * jj + 3, 0)
            return carry
        lax.fori_loop(0, ntrip, trip, None)
        for j in range(3 * ntrip + 1, nchunk - 2):
            steady(jnp.int32(j), j % 3)
        for j in range(nchunk - 2, nchunk):
            wait_gather(jnp.int32(j), j % 3)
            scale(jnp.int32(j), j % 3)
            start_scatter(jnp.int32(j), j % 3)
        for j in range(nchunk - 3, nchunk):
            wait_scatter(jnp.int32(j), j % 3)

        plsc.subcore_barrier()
        pltpu.sync_copy(acc.at[pl.ds(s * rpt, rpt)],
                        out_h.at[pl.ds(s * rpt, rpt), pl.ds(c * dh, dh)])

    return sc_scatter


def kernel(x, edge_index, edge_weight, W, b):
    n, d = x.shape
    e = edge_weight.shape[0]
    dh = d // NC
    ept = e // NS
    eptp = -(-ept // CH) * CH
    pad = eptp - ept
    col = edge_index[1].astype(jnp.int32).reshape(NS, ept)
    row = edge_index[0].astype(jnp.int32).reshape(NS, ept)
    w = edge_weight.reshape(NS, ept)
    if pad:
        col = jnp.pad(col, ((0, 0), (0, pad)))
        row = jnp.pad(row, ((0, 0), (0, pad)))
        w = jnp.pad(w, ((0, 0), (0, pad)))
    col = col.reshape(NS * eptp)
    row3 = row.reshape(NS, eptp // CH, CH)
    w = w.reshape(NS * eptp)
    h2 = _linear_split(x, W, b)
    return _build_scatter(n, NS * eptp, dh)(h2, col, row3, w)

# --- scband reference (transcript-rebuilt; emitter-appended) ---
"""Pipeline reference for scband-graph-conv-layer-25512105738334 (READ-ONLY COPY).

The authoritative reference and input builder live on the scoring server;
editing this copy changes nothing except your own understanding.
"""

import jax, jax.numpy as jnp
import numpy as np

N = 10000
E = 320000
D_IN = 128
D_OUT = 128


def setup_inputs(seed: int = 0) -> dict:
    key = jax.random.key(seed)
    k1, k2, k3, k4, k5 = jax.random.split(key, 5)
    x = jax.random.normal(k1, (N, D_IN), dtype=jnp.float32)
    edge_index = jax.random.randint(k2, (2, E), 0, N)
    edge_weight = jax.random.uniform(k3, (E,), dtype=jnp.float32)
    # Learned parameters of nn.Linear(in_dim, out_dim, bias=True)
    W = jax.random.normal(k4, (D_OUT, D_IN), dtype=jnp.float32) * 0.05
    b = jax.random.normal(k5, (D_OUT,), dtype=jnp.float32) * 0.05
    return {"x": x, "edge_index": edge_index, "edge_weight": edge_weight, "W": W, "b": b}


def reference(x, edge_index, edge_weight, W, b):
    # h = linear(x)
    h = x @ W.T + b
    # sparse.mm(adj_norm, h): adj_norm in COO form (row=dst, col=src, val=edge_weight)
    row = edge_index[0]
    col = edge_index[1]
    msgs = edge_weight[:, None] * jnp.take(h, col, axis=0)
    out = jax.ops.segment_sum(msgs, row, num_segments=x.shape[0])
    return out

if __name__ == "__main__":
    import jax
    _d = setup_inputs()
    print(jax.jit(kernel)(*tuple(_d.values())))

</pallas_src>

<mosaic_0001>
#map = affine_map<(d0, d1) -> (0, 0)>
#map1 = affine_map<(d0, d1) -> (0)>
#map2 = affine_map<(d0, d1) -> (0, 0, 0)>
module attributes {stable_mosaic.version = 14 : i64} {
  func.func @sc_scatter(%arg0: i32, %arg1: i32, %arg2: memref<20000x64xf32, #tpu.memory_space<hbm>>, %arg3: memref<320000xi32, #tpu.memory_space<hbm>>, %arg4: memref<16x250x80xi32, #tpu.memory_space<hbm>>, %arg5: memref<320000xf32, #tpu.memory_space<hbm>>, %arg6: memref<10000x128xf32, #tpu.memory_space<hbm>>, %arg7: memref<20000xi32, #tpu.memory_space<vmem>>, %arg8: memref<250x80xi32, #tpu.memory_space<vmem>>, %arg9: memref<20000xf32, #tpu.memory_space<vmem>>, %arg10: memref<3x80x64xf32, #tpu.memory_space<vmem>>, %arg11: memref<125x64xf32, #tpu.memory_space<vmem>>, %arg12: memref<10000x64xf32, #tpu.memory_space<vmem_shared>>, %arg13: memref<!tpu.dma_semaphore, #tpu.memory_space<semaphore_mem>>, %arg14: memref<!tpu.dma_semaphore, #tpu.memory_space<semaphore_mem>>, %arg15: memref<!tpu.dma_semaphore, #tpu.memory_space<semaphore_mem>>, %arg16: memref<!tpu.dma_semaphore, #tpu.memory_space<semaphore_mem>>, %arg17: memref<!tpu.dma_semaphore, #tpu.memory_space<semaphore_mem>>, %arg18: memref<!tpu.dma_semaphore, #tpu.memory_space<semaphore_mem>>) attributes {dimension_semantics = [#tpu.dimension_semantics<core_parallel>, #tpu.dimension_semantics<subcore_parallel>], iteration_bounds = array<i64: 2, 16>, scalar_prefetch = 0 : i64, scratch_operands = 12 : i64, tpu.core_type = #tpu.core_type<sc_vector_subcore>, window_params = [{transform_indices = #map}, {transform_indices = #map1}, {transform_indices = #map2}, {transform_indices = #map1}, {transform_indices = #map}]} {
    %broadcast_in_dim3A = arith.constant 0.000000e+00 : f32
    %broadcast_in_dim3A_0 = vector.broadcast %broadcast_in_dim3A : f32 to vector<16xf32>
    %scan3A = arith.constant 0 : i32
    %scan3A_1 = arith.constant 125 : i32
    %scan3A_2 = arith.addi %scan3A, %scan3A_1 : i32
    %scan3A_3 = arith.constant 1 : i32
    scf.for %scan3A_238 = %scan3A to %scan3A_2 step %scan3A_3  : i32 {
      %swap3A = arith.index_cast %scan3A_238 : i32 to index
      %swap3A_239 = arith.constant 0 : index
      %swap3A_240 = tpu.vector_load %arg11[%swap3A, %swap3A_239] {strides = array<i32>} : memref<125x64xf32, #tpu.memory_space<vmem>>, vector<1x16xf32>,
      %swap3A_241 = vector.shape_cast %swap3A_240 : vector<1x16xf32> to vector<16xf32>
      %swap3A_242 = vector.shape_cast %broadcast_in_dim3A_0 : vector<16xf32> to vector<1x16xf32>
      tpu.vector_store %arg11[%swap3A, %swap3A_239], %swap3A_242 {strides = array<i32>} : memref<125x64xf32, #tpu.memory_space<vmem>>, vector<1x16xf32>,
      %swap3A_243 = arith.index_cast %scan3A_238 : i32 to index
      %swap3A_244 = arith.constant 16 : index
      %swap3A_245 = tpu.vector_load %arg11[%swap3A_243, %swap3A_244] {strides = array<i32>} : memref<125x64xf32, #tpu.memory_space<vmem>>, vector<1x16xf32>,
      %swap3A_246 = vector.shape_cast %swap3A_245 : vector<1x16xf32> to vector<16xf32>
      %swap3A_247 = vector.shape_cast %broadcast_in_dim3A_0 : vector<16xf32> to vector<1x16xf32>
      tpu.vector_store %arg11[%swap3A_243, %swap3A_244], %swap3A_247 {strides = array<i32>} : memref<125x64xf32, #tpu.memory_space<vmem>>, vector<1x16xf32>,
      %swap3A_248 = arith.index_cast %scan3A_238 : i32 to index
      %swap3A_249 = arith.constant 32 : index
      %swap3A_250 = tpu.vector_load %arg11[%swap3A_248, %swap3A_249] {strides = array<i32>} : memref<125x64xf32, #tpu.memory_space<vmem>>, vector<1x16xf32>,
      %swap3A_251 = vector.shape_cast %swap3A_250 : vector<1x16xf32> to vector<16xf32>
      %swap3A_252 = vector.shape_cast %broadcast_in_dim3A_0 : vector<16xf32> to vector<1x16xf32>
      tpu.vector_store %arg11[%swap3A_248, %swap3A_249], %swap3A_252 {strides = array<i32>} : memref<125x64xf32, #tpu.memory_space<vmem>>, vector<1x16xf32>,
      %swap3A_253 = arith.index_cast %scan3A_238 : i32 to index
      %swap3A_254 = arith.constant 48 : index
      %swap3A_255 = tpu.vector_load %arg11[%swap3A_253, %swap3A_254] {strides = array<i32>} : memref<125x64xf32, #tpu.memory_space<vmem>>, vector<1x16xf32>,
      %swap3A_256 = vector.shape_cast %swap3A_255 : vector<1x16xf32> to vector<16xf32>
      %swap3A_257 = vector.shape_cast %broadcast_in_dim3A_0 : vector<16xf32> to vector<1x16xf32>
      tpu.vector_store %arg11[%swap3A_253, %swap3A_254], %swap3A_257 {strides = array<i32>} : memref<125x64xf32, #tpu.memory_space<vmem>>, vector<1x16xf32>,
    }
    %scan3A_4 = arith.constant 125 : i32
    %mul3A = arith.constant 625 : i32
    %mul3A_5 = arith.muli %arg1, %mul3A : i32
    %add3A = arith.constant 0 : i32
    %add3A_6 = arith.addi %mul3A_5, %add3A : i32
    "tpu.region"() ({
      %run_scoped3A = tpu.sem_alloc : memref<!tpu.dma_semaphore, #tpu.memory_space<semaphore_mem>>
      %dma_start3A_238 = arith.constant 0 : i32
      %dma_start3A_239 = tpu.memref_slice %arg12[%add3A_6, %dma_start3A_238] : memref<10000x64xf32, #tpu.memory_space<vmem_shared>> -> memref<125x64xf32, #tpu.memory_space<vmem_shared>>
      %dma_start3A_240 = arith.constant 0 : i32
      %dma_start3A_241 = tpu.memref_slice %arg12[%add3A_6, %dma_start3A_240] : memref<10000x64xf32, #tpu.memory_space<vmem_shared>> -> memref<125x64xf32, #tpu.memory_space<vmem_shared>>
      tpu.enqueue_dma source(%arg11 : memref<125x64xf32, #tpu.memory_space<vmem>>) target(%dma_start3A_241 : memref<125x64xf32, #tpu.memory_space<vmem_shared>>) target_semaphore(%run_scoped3A : memref<!tpu.dma_semaphore, #tpu.memory_space<semaphore_mem>>)
      %dma_wait3A_242 = arith.constant 0 : i32
      %dma_wait3A_243 = tpu.memref_slice %arg12[%add3A_6, %dma_wait3A_242] : memref<10000x64xf32, #tpu.memory_space<vmem_shared>> -> memref<125x64xf32, #tpu.memory_space<vmem_shared>>
      %dma_wait3A_244 = arith.constant 0 : i32
      %dma_wait3A_245 = tpu.memref_slice %arg12[%add3A_6, %dma_wait3A_244] : memref<10000x64xf32, #tpu.memory_space<vmem_shared>> -> memref<125x64xf32, #tpu.memory_space<vmem_shared>>
      tpu.wait_dma2 semaphore(%run_scoped3A : memref<!tpu.dma_semaphore, #tpu.memory_space<semaphore_mem>>) src(%arg11 : memref<125x64xf32, #tpu.memory_space<vmem>>) dst(%dma_wait3A_245 : memref<125x64xf32, #tpu.memory_space<vmem_shared>>)
      tpu.yield
    }) : () -> ()
    %mul3A_7 = arith.constant 625 : i32
    %mul3A_8 = arith.muli %arg1, %mul3A_7 : i32
    %add3A_9 = arith.constant 125 : i32
    %add3A_10 = arith.addi %mul3A_8, %add3A_9 : i32
    "tpu.region"() ({
      %run_scoped3A = tpu.sem_alloc : memref<!tpu.dma_semaphore, #tpu.memory_space<semaphore_mem>>
      %dma_start3A_238 = arith.constant 0 : i32
      %dma_start3A_239 = tpu.memref_slice %arg12[%add3A_10, %dma_start3A_238] : memref<10000x64xf32, #tpu.memory_space<vmem_shared>> -> memref<125x64xf32, #tpu.memory_space<vmem_shared>>
      %dma_start3A_240 = arith.constant 0 : i32
      %dma_start3A_241 = tpu.memref_slice %arg12[%add3A_10, %dma_start3A_240] : memref<10000x64xf32, #tpu.memory_space<vmem_shared>> -> memref<125x64xf32, #tpu.memory_space<vmem_shared>>
      tpu.enqueue_dma source(%arg11 : memref<125x64xf32, #tpu.memory_space<vmem>>) target(%dma_start3A_241 : memref<125x64xf32, #tpu.memory_space<vmem_shared>>) target_semaphore(%run_scoped3A : memref<!tpu.dma_semaphore, #tpu.memory_space<semaphore_mem>>)
      %dma_wait3A_242 = arith.constant 0 : i32
      %dma_wait3A_243 = tpu.memref_slice %arg12[%add3A_10, %dma_wait3A_242] : memref<10000x64xf32, #tpu.memory_space<vmem_shared>> -> memref<125x64xf32, #tpu.memory_space<vmem_shared>>
      %dma_wait3A_244 = arith.constant 0 : i32
      %dma_wait3A_245 = tpu.memref_slice %arg12[%add3A_10, %dma_wait3A_244] : memref<10000x64xf32, #tpu.memory_space<vmem_shared>> -> memref<125x64xf32, #tpu.memory_space<vmem_shared>>
      tpu.wait_dma2 semaphore(%run_scoped3A : memref<!tpu.dma_semaphore, #tpu.memory_space<semaphore_mem>>) src(%arg11 : memref<125x64xf32, #tpu.memory_space<vmem>>) dst(%dma_wait3A_245 : memref<125x64xf32, #tpu.memory_space<vmem_shared>>)
      tpu.yield
    }) : () -> ()
    %mul3A_11 = arith.constant 625 : i32
    %mul3A_12 = arith.muli %arg1, %mul3A_11 : i32
    %add3A_13 = arith.constant 250 : i32
    %add3A_14 = arith.addi %mul3A_12, %add3A_13 : i32
    "tpu.region"() ({
      %run_scoped3A = tpu.sem_alloc : memref<!tpu.dma_semaphore, #tpu.memory_space<semaphore_mem>>
      %dma_start3A_238 = arith.constant 0 : i32
      %dma_start3A_239 = tpu.memref_slice %arg12[%add3A_14, %dma_start3A_238] : memref<10000x64xf32, #tpu.memory_space<vmem_shared>> -> memref<125x64xf32, #tpu.memory_space<vmem_shared>>
      %dma_start3A_240 = arith.constant 0 : i32
      %dma_start3A_241 = tpu.memref_slice %arg12[%add3A_14, %dma_start3A_240] : memref<10000x64xf32, #tpu.memory_space<vmem_shared>> -> memref<125x64xf32, #tpu.memory_space<vmem_shared>>
      tpu.enqueue_dma source(%arg11 : memref<125x64xf32, #tpu.memory_space<vmem>>) target(%dma_start3A_241 : memref<125x64xf32, #tpu.memory_space<vmem_shared>>) target_semaphore(%run_scoped3A : memref<!tpu.dma_semaphore, #tpu.memory_space<semaphore_mem>>)
      %dma_wait3A_242 = arith.constant 0 : i32
      %dma_wait3A_243 = tpu.memref_slice %arg12[%add3A_14, %dma_wait3A_242] : memref<10000x64xf32, #tpu.memory_space<vmem_shared>> -> memref<125x64xf32, #tpu.memory_space<vmem_shared>>
      %dma_wait3A_244 = arith.constant 0 : i32
      %dma_wait3A_245 = tpu.memref_slice %arg12[%add3A_14, %dma_wait3A_244] : memref<10000x64xf32, #tpu.memory_space<vmem_shared>> -> memref<125x64xf32, #tpu.memory_space<vmem_shared>>
      tpu.wait_dma2 semaphore(%run_scoped3A : memref<!tpu.dma_semaphore, #tpu.memory_space<semaphore_mem>>) src(%arg11 : memref<125x64xf32, #tpu.memory_space<vmem>>) dst(%dma_wait3A_245 : memref<125x64xf32, #tpu.memory_space<vmem_shared>>)
      tpu.yield
    }) : () -> ()
    %mul3A_15 = arith.constant 625 : i32
    %mul3A_16 = arith.muli %arg1, %mul3A_15 : i32
    %add3A_17 = arith.constant 375 : i32
    %add3A_18 = arith.addi %mul3A_16, %add3A_17 : i32
    "tpu.region"() ({
      %run_scoped3A = tpu.sem_alloc : memref<!tpu.dma_semaphore, #tpu.memory_space<semaphore_mem>>
      %dma_start3A_238 = arith.constant 0 : i32
      %dma_start3A_239 = tpu.memref_slice %arg12[%add3A_18, %dma_start3A_238] : memref<10000x64xf32, #tpu.memory_space<vmem_shared>> -> memref<125x64xf32, #tpu.memory_space<vmem_shared>>
      %dma_start3A_240 = arith.constant 0 : i32
      %dma_start3A_241 = tpu.memref_slice %arg12[%add3A_18, %dma_start3A_240] : memref<10000x64xf32, #tpu.memory_space<vmem_shared>> -> memref<125x64xf32, #tpu.memory_space<vmem_shared>>
      tpu.enqueue_dma source(%arg11 : memref<125x64xf32, #tpu.memory_space<vmem>>) target(%dma_start3A_241 : memref<125x64xf32, #tpu.memory_space<vmem_shared>>) target_semaphore(%run_scoped3A : memref<!tpu.dma_semaphore, #tpu.memory_space<semaphore_mem>>)
      %dma_wait3A_242 = arith.constant 0 : i32
      %dma_wait3A_243 = tpu.memref_slice %arg12[%add3A_18, %dma_wait3A_242] : memref<10000x64xf32, #tpu.memory_space<vmem_shared>> -> memref<125x64xf32, #tpu.memory_space<vmem_shared>>
      %dma_wait3A_244 = arith.constant 0 : i32
      %dma_wait3A_245 = tpu.memref_slice %arg12[%add3A_18, %dma_wait3A_244] : memref<10000x64xf32, #tpu.memory_space<vmem_shared>> -> memref<125x64xf32, #tpu.memory_space<vmem_shared>>
      tpu.wait_dma2 semaphore(%run_scoped3A : memref<!tpu.dma_semaphore, #tpu.memory_space<semaphore_mem>>) src(%arg11 : memref<125x64xf32, #tpu.memory_space<vmem>>) dst(%dma_wait3A_245 : memref<125x64xf32, #tpu.memory_space<vmem_shared>>)
      tpu.yield
    }) : () -> ()
    %mul3A_19 = arith.constant 625 : i32
    %mul3A_20 = arith.muli %arg1, %mul3A_19 : i32
    %add3A_21 = arith.constant 500 : i32
    %add3A_22 = arith.addi %mul3A_20, %add3A_21 : i32
    "tpu.region"() ({
      %run_scoped3A = tpu.sem_alloc : memref<!tpu.dma_semaphore, #tpu.memory_space<semaphore_mem>>
      %dma_start3A_238 = arith.constant 0 : i32
      %dma_start3A_239 = tpu.memref_slice %arg12[%add3A_22, %dma_start3A_238] : memref<10000x64xf32, #tpu.memory_space<vmem_shared>> -> memref<125x64xf32, #tpu.memory_space<vmem_shared>>
      %dma_start3A_240 = arith.constant 0 : i32
      %dma_start3A_241 = tpu.memref_slice %arg12[%add3A_22, %dma_start3A_240] : memref<10000x64xf32, #tpu.memory_space<vmem_shared>> -> memref<125x64xf32, #tpu.memory_space<vmem_shared>>
      tpu.enqueue_dma source(%arg11 : memref<125x64xf32, #tpu.memory_space<vmem>>) target(%dma_start3A_241 : memref<125x64xf32, #tpu.memory_space<vmem_shared>>) target_semaphore(%run_scoped3A : memref<!tpu.dma_semaphore, #tpu.memory_space<semaphore_mem>>)
      %dma_wait3A_242 = arith.constant 0 : i32
      %dma_wait3A_243 = tpu.memref_slice %arg12[%add3A_22, %dma_wait3A_242] : memref<10000x64xf32, #tpu.memory_space<vmem_shared>> -> memref<125x64xf32, #tpu.memory_space<vmem_shared>>
      %dma_wait3A_244 = arith.constant 0 : i32
      %dma_wait3A_245 = tpu.memref_slice %arg12[%add3A_22, %dma_wait3A_244] : memref<10000x64xf32, #tpu.memory_space<vmem_shared>> -> memref<125x64xf32, #tpu.memory_space<vmem_shared>>
      tpu.wait_dma2 semaphore(%run_scoped3A : memref<!tpu.dma_semaphore, #tpu.memory_space<semaphore_mem>>) src(%arg11 : memref<125x64xf32, #tpu.memory_space<vmem>>) dst(%dma_wait3A_245 : memref<125x64xf32, #tpu.memory_space<vmem_shared>>)
      tpu.yield
    }) : () -> ()
    %mul3A_23 = arith.constant 20000 : i32
    %mul3A_24 = arith.muli %arg1, %mul3A_23 : i32
    "tpu.region"() ({
      %run_scoped3A = tpu.sem_alloc : memref<!tpu.dma_semaphore, #tpu.memory_space<semaphore_mem>>
      %dma_start3A_238 = tpu.memref_slice %arg3[%mul3A_24] : memref<320000xi32, #tpu.memory_space<hbm>> -> memref<20000xi32, #tpu.memory_space<hbm>>
      %dma_start3A_239 = tpu.memref_slice %arg3[%mul3A_24] : memref<320000xi32, #tpu.memory_space<hbm>> -> memref<20000xi32, #tpu.memory_space<hbm>>
      tpu.enqueue_dma source(%dma_start3A_239 : memref<20000xi32, #tpu.memory_space<hbm>>) target(%arg7 : memref<20000xi32, #tpu.memory_space<vmem>>) target_semaphore(%run_scoped3A : memref<!tpu.dma_semaphore, #tpu.memory_space<semaphore_mem>>)
      %dma_wait3A_240 = tpu.memref_slice %arg3[%mul3A_24] : memref<320000xi32, #tpu.memory_space<hbm>> -> memref<20000xi32, #tpu.memory_space<hbm>>
      %dma_wait3A_241 = tpu.memref_slice %arg3[%mul3A_24] : memref<320000xi32, #tpu.memory_space<hbm>> -> memref<20000xi32, #tpu.memory_space<hbm>>
      tpu.wait_dma2 semaphore(%run_scoped3A : memref<!tpu.dma_semaphore, #tpu.memory_space<semaphore_mem>>) src(%dma_wait3A_241 : memref<20000xi32, #tpu.memory_space<hbm>>) dst(%arg7 : memref<20000xi32, #tpu.memory_space<vmem>>)
      tpu.yield
    }) : () -> ()
    "tpu.region"() ({
      %run_scoped3A = tpu.sem_alloc : memref<!tpu.dma_semaphore, #tpu.memory_space<semaphore_mem>>
      %dma_start3A_238 = arith.constant 0 : i32
      %dma_start3A_239 = arith.constant 0 : i32
      %dma_start3A_240 = tpu.memref_slice %arg4[%arg1, %dma_start3A_238, %dma_start3A_239] : memref<16x250x80xi32, #tpu.memory_space<hbm>> -> memref<1x250x80xi32, #tpu.memory_space<hbm>>
      %dma_start3A_241 = tpu.memref_squeeze %dma_start3A_240 : memref<1x250x80xi32, #tpu.memory_space<hbm>> -> memref<250x80xi32, #tpu.memory_space<hbm>>
      %dma_start3A_242 = arith.constant 0 : i32
      %dma_start3A_243 = arith.constant 0 : i32
      %dma_start3A_244 = tpu.memref_slice %arg4[%arg1, %dma_start3A_242, %dma_start3A_243] : memref<16x250x80xi32, #tpu.memory_space<hbm>> -> memref<1x250x80xi32, #tpu.memory_space<hbm>>
      %dma_start3A_245 = tpu.memref_squeeze %dma_start3A_244 : memref<1x250x80xi32, #tpu.memory_space<hbm>> -> memref<250x80xi32, #tpu.memory_space<hbm>>
      tpu.enqueue_dma source(%dma_start3A_245 : memref<250x80xi32, #tpu.memory_space<hbm>>) target(%arg8 : memref<250x80xi32, #tpu.memory_space<vmem>>) target_semaphore(%run_scoped3A : memref<!tpu.dma_semaphore, #tpu.memory_space<semaphore_mem>>)
      %dma_wait3A_246 = arith.constant 0 : i32
      %dma_wait3A_247 = arith.constant 0 : i32
      %dma_wait3A_248 = tpu.memref_slice %arg4[%arg1, %dma_wait3A_246, %dma_wait3A_247] : memref<16x250x80xi32, #tpu.memory_space<hbm>> -> memref<1x250x80xi32, #tpu.memory_space<hbm>>
      %dma_wait3A_249 = tpu.memref_squeeze %dma_wait3A_248 : memref<1x250x80xi32, #tpu.memory_space<hbm>> -> memref<250x80xi32, #tpu.memory_space<hbm>>
      %dma_wait3A_250 = arith.constant 0 : i32
      %dma_wait3A_251 = arith.constant 0 : i32
      %dma_wait3A_252 = tpu.memref_slice %arg4[%arg1, %dma_wait3A_250, %dma_wait3A_251] : memref<16x250x80xi32, #tpu.memory_space<hbm>> -> memref<1x250x80xi32, #tpu.memory_space<hbm>>
      %dma_wait3A_253 = tpu.memref_squeeze %dma_wait3A_252 : memref<1x250x80xi32, #tpu.memory_space<hbm>> -> memref<250x80xi32, #tpu.memory_space<hbm>>
      tpu.wait_dma2 semaphore(%run_scoped3A : memref<!tpu.dma_semaphore, #tpu.memory_space<semaphore_mem>>) src(%dma_wait3A_253 : memref<250x80xi32, #tpu.memory_space<hbm>>) dst(%arg8 : memref<250x80xi32, #tpu.memory_space<vmem>>)
      tpu.yield
    }) : () -> ()
    "tpu.region"() ({
      %run_scoped3A = tpu.sem_alloc : memref<!tpu.dma_semaphore, #tpu.memory_space<semaphore_mem>>
      %dma_start3A_238 = tpu.memref_slice %arg5[%mul3A_24] : memref<320000xf32, #tpu.memory_space<hbm>> -> memref<20000xf32, #tpu.memory_space<hbm>>
      %dma_start3A_239 = tpu.memref_slice %arg5[%mul3A_24] : memref<320000xf32, #tpu.memory_space<hbm>> -> memref<20000xf32, #tpu.memory_space<hbm>>
      tpu.enqueue_dma source(%dma_start3A_239 : memref<20000xf32, #tpu.memory_space<hbm>>) target(%arg9 : memref<20000xf32, #tpu.memory_space<vmem>>) target_semaphore(%run_scoped3A : memref<!tpu.dma_semaphore, #tpu.memory_space<semaphore_mem>>)
      %dma_wait3A_240 = tpu.memref_slice %arg5[%mul3A_24] : memref<320000xf32, #tpu.memory_space<hbm>> -> memref<20000xf32, #tpu.memory_space<hbm>>
      %dma_wait3A_241 = tpu.memref_slice %arg5[%mul3A_24] : memref<320000xf32, #tpu.memory_space<hbm>> -> memref<20000xf32, #tpu.memory_space<hbm>>
      tpu.wait_dma2 semaphore(%run_scoped3A : memref<!tpu.dma_semaphore, #tpu.memory_space<semaphore_mem>>) src(%dma_wait3A_241 : memref<20000xf32, #tpu.memory_space<hbm>>) dst(%arg9 : memref<20000xf32, #tpu.memory_space<vmem>>)
      tpu.yield
    }) : () -> ()
    %mul3A_25 = arith.constant 10000 : i32
    %mul3A_26 = arith.muli %arg0, %mul3A_25 : i32
    %broadcast_in_dim3A_27 = vector.broadcast %mul3A_26 : i32 to vector<16xi32>
    %scan3A_28 = arith.constant 0 : i32
    %scan3A_29 = arith.constant 1250 : i32
    %scan3A_30 = arith.addi %scan3A_28, %scan3A_29 : i32
    %scan3A_31 = arith.constant 1 : i32
    scf.for %scan3A_238 = %scan3A_28 to %scan3A_30 step %scan3A_31  : i32 {
      %mul3A_239 = arith.constant 16 : i32
      %mul3A_240 = arith.muli %scan3A_238, %mul3A_239 : i32
      %get3A = arith.index_cast %mul3A_240 : i32 to index
      %get3A_241 = tpu.vector_load %arg7[%get3A] {strides = array<i32>} : memref<20000xi32, #tpu.memory_space<vmem>>, vector<16xi32>,
      %get3A_242 = vector.shape_cast %get3A_241 : vector<16xi32> to vector<16xi32>
      %add3A_243 = arith.addi %get3A_242, %broadcast_in_dim3A_27 : vector<16xi32>
      %mul3A_244 = arith.constant 16 : i32
      %mul3A_245 = arith.muli %scan3A_238, %mul3A_244 : i32
      %swap3A = arith.index_cast %mul3A_245 : i32 to index
      %swap3A_246 = tpu.vector_load %arg7[%swap3A] {strides = array<i32>} : memref<20000xi32, #tpu.memory_space<vmem>>, vector<16xi32>,
      %swap3A_247 = vector.shape_cast %swap3A_246 : vector<16xi32> to vector<16xi32>
      %swap3A_248 = vector.shape_cast %add3A_243 : vector<16xi32> to vector<16xi32>
      tpu.vector_store %arg7[%swap3A], %swap3A_248 {strides = array<i32>} : memref<20000xi32, #tpu.memory_space<vmem>>, vector<16xi32>,
    }
    %scan3A_32 = arith.constant 1250 : i32
    %barrier3A = arith.constant 0 : index
    tpu.barrier barrier_id(%barrier3A)
    %mul3A_33 = arith.constant 0 : i32
    %mul3A_34 = arith.constant 80 : i32
    %mul3A_35 = arith.muli %mul3A_33, %mul3A_34 : i32
    %dma_start3A = arith.constant 0 : i32
    %dma_start3A_36 = arith.constant 0 : i32
    %dma_start3A_37 = arith.constant 0 : i32
    %dma_start3A_38 = tpu.memref_slice %arg10[%dma_start3A, %dma_start3A_36, %dma_start3A_37] : memref<3x80x64xf32, #tpu.memory_space<vmem>> -> memref<1x80x64xf32, #tpu.memory_space<vmem>>
    %dma_start3A_39 = tpu.memref_squeeze %dma_start3A_38 : memref<1x80x64xf32, #tpu.memory_space<vmem>> -> memref<80x64xf32, #tpu.memory_space<vmem>>
    %dma_start3A_40 = tpu.memref_slice %arg7[%mul3A_35] : memref<20000xi32, #tpu.memory_space<vmem>> -> memref<80xi32, #tpu.memory_space<vmem>>
    %dma_start3A_41 = arith.constant 0 : i32
    %dma_start3A_42 = arith.constant 0 : i32
    %dma_start3A_43 = tpu.memref_slice %arg2[%dma_start3A_41, %dma_start3A_42] : memref<20000x64xf32, #tpu.memory_space<hbm>> -> memref<20000x64xf32, #tpu.memory_space<hbm>>
    tpu.enqueue_indirect_dma source(%dma_start3A_43 : memref<20000x64xf32, #tpu.memory_space<hbm>>) target(%dma_start3A_39 : memref<80x64xf32, #tpu.memory_space<vmem>>) offsets(%dma_start3A_40 : memref<80xi32, #tpu.memory_space<vmem>>) semaphore(%arg13 : memref<!tpu.dma_semaphore, #tpu.memory_space<semaphore_mem>>)
    %mul3A_44 = arith.constant 1 : i32
    %mul3A_45 = arith.constant 80 : i32
    %mul3A_46 = arith.muli %mul3A_44, %mul3A_45 : i32
    %dma_start3A_47 = arith.constant 1 : i32
    %dma_start3A_48 = arith.constant 0 : i32
    %dma_start3A_49 = arith.constant 0 : i32
    %dma_start3A_50 = tpu.memref_slice %arg10[%dma_start3A_47, %dma_start3A_48, %dma_start3A_49] : memref<3x80x64xf32, #tpu.memory_space<vmem>> -> memref<1x80x64xf32, #tpu.memory_space<vmem>>
    %dma_start3A_51 = tpu.memref_squeeze %dma_start3A_50 : memref<1x80x64xf32, #tpu.memory_space<vmem>> -> memref<80x64xf32, #tpu.memory_space<vmem>>
    %dma_start3A_52 = tpu.memref_slice %arg7[%mul3A_46] : memref<20000xi32, #tpu.memory_space<vmem>> -> memref<80xi32, #tpu.memory_space<vmem>>
    %dma_start3A_53 = arith.constant 0 : i32
    %dma_start3A_54 = arith.constant 0 : i32
    %dma_start3A_55 = tpu.memref_slice %arg2[%dma_start3A_53, %dma_start3A_54] : memref<20000x64xf32, #tpu.memory_space<hbm>> -> memref<20000x64xf32, #tpu.memory_space<hbm>>
    tpu.enqueue_indirect_dma source(%dma_start3A_55 : memref<20000x64xf32, #tpu.memory_space<hbm>>) target(%dma_start3A_51 : memref<80x64xf32, #tpu.memory_space<vmem>>) offsets(%dma_start3A_52 : memref<80xi32, #tpu.memory_space<vmem>>) semaphore(%arg14 : memref<!tpu.dma_semaphore, #tpu.memory_space<semaphore_mem>>)
    %mul3A_56 = arith.constant 2 : i32
    %mul3A_57 = arith.constant 80 : i32
    %mul3A_58 = arith.muli %mul3A_56, %mul3A_57 : i32
    %dma_start3A_59 = arith.constant 2 : i32
    %dma_start3A_60 = arith.constant 0 : i32
    %dma_start3A_61 = arith.constant 0 : i32
    %dma_start3A_62 = tpu.memref_slice %arg10[%dma_start3A_59, %dma_start3A_60, %dma_start3A_61] : memref<3x80x64xf32, #tpu.memory_space<vmem>> -> memref<1x80x64xf32, #tpu.memory_space<vmem>>
    %dma_start3A_63 = tpu.memref_squeeze %dma_start3A_62 : memref<1x80x64xf32, #tpu.memory_space<vmem>> -> memref<80x64xf32, #tpu.memory_space<vmem>>
    %dma_start3A_64 = tpu.memref_slice %arg7[%mul3A_58] : memref<20000xi32, #tpu.memory_space<vmem>> -> memref<80xi32, #tpu.memory_space<vmem>>
    %dma_start3A_65 = arith.constant 0 : i32
    %dma_start3A_66 = arith.constant 0 : i32
    %dma_start3A_67 = tpu.memref_slice %arg2[%dma_start3A_65, %dma_start3A_66] : memref<20000x64xf32, #tpu.memory_space<hbm>> -> memref<20000x64xf32, #tpu.memory_space<hbm>>
    tpu.enqueue_indirect_dma source(%dma_start3A_67 : memref<20000x64xf32, #tpu.memory_space<hbm>>) target(%dma_start3A_63 : memref<80x64xf32, #tpu.memory_space<vmem>>) offsets(%dma_start3A_64 : memref<80xi32, #tpu.memory_space<vmem>>) semaphore(%arg15 : memref<!tpu.dma_semaphore, #tpu.memory_space<semaphore_mem>>)
    %mul3A_68 = arith.constant 0 : i32
    %mul3A_69 = arith.constant 80 : i32
    %mul3A_70 = arith.muli %mul3A_68, %mul3A_69 : i32
    %dma_wait3A = arith.constant 0 : i32
    %dma_wait3A_71 = arith.constant 0 : i32
    %dma_wait3A_72 = arith.constant 0 : i32
    %dma_wait3A_73 = tpu.memref_slice %arg10[%dma_wait3A, %dma_wait3A_71, %dma_wait3A_72] : memref<3x80x64xf32, #tpu.memory_space<vmem>> -> memref<1x80x64xf32, #tpu.memory_space<vmem>>
    %dma_wait3A_74 = tpu.memref_squeeze %dma_wait3A_73 : memref<1x80x64xf32, #tpu.memory_space<vmem>> -> memref<80x64xf32, #tpu.memory_space<vmem>>
    %dma_wait3A_75 = tpu.memref_slice %arg7[%mul3A_70] : memref<20000xi32, #tpu.memory_space<vmem>> -> memref<80xi32, #tpu.memory_space<vmem>>
    %dma_wait3A_76 = arith.constant 0 : i32
    %dma_wait3A_77 = arith.constant 0 : i32
    %dma_wait3A_78 = tpu.memref_slice %arg2[%dma_wait3A_76, %dma_wait3A_77] : memref<20000x64xf32, #tpu.memory_space<hbm>> -> memref<20000x64xf32, #tpu.memory_space<hbm>>
    tpu.wait_indirect_dma semaphore(%arg13 : memref<!tpu.dma_semaphore, #tpu.memory_space<semaphore_mem>>) src(%dma_wait3A_78 : memref<20000x64xf32, #tpu.memory_space<hbm>>) dst(%dma_wait3A_74 : memref<80x64xf32, #tpu.memory_space<vmem>>)
    %dma_start3A_79 = arith.constant 0 : i32
    %dma_start3A_80 = arith.constant 0 : i32
    %dma_start3A_81 = arith.constant 0 : i32
    %dma_start3A_82 = arith.constant 0 : i32
    %dma_start3A_83 = tpu.memref_slice %arg10[%dma_start3A_79, %dma_start3A_81, %dma_start3A_82] : memref<3x80x64xf32, #tpu.memory_space<vmem>> -> memref<1x80x64xf32, #tpu.memory_space<vmem>>
    %dma_start3A_84 = tpu.memref_squeeze %dma_start3A_83 : memref<1x80x64xf32, #tpu.memory_space<vmem>> -> memref<80x64xf32, #tpu.memory_space<vmem>>
    %dma_start3A_85 = arith.constant 0 : i32
    %dma_start3A_86 = tpu.memref_slice %arg8[%dma_start3A_80, %dma_start3A_85] : memref<250x80xi32, #tpu.memory_space<vmem>> -> memref<1x80xi32, #tpu.memory_space<vmem>>
    %dma_start3A_87 = tpu.memref_squeeze %dma_start3A_86 : memref<1x80xi32, #tpu.memory_space<vmem>> -> memref<80xi32, #tpu.memory_space<vmem>>
    %dma_start3A_88 = arith.constant 0 : i32
    %dma_start3A_89 = arith.constant 0 : i32
    %dma_start3A_90 = tpu.memref_slice %arg12[%dma_start3A_88, %dma_start3A_89] : memref<10000x64xf32, #tpu.memory_space<vmem_shared>> -> memref<10000x64xf32, #tpu.memory_space<vmem_shared>>
    tpu.enqueue_indirect_dma source(%dma_start3A_84 : memref<80x64xf32, #tpu.memory_space<vmem>>) target(%dma_start3A_90 : memref<10000x64xf32, #tpu.memory_space<vmem_shared>>) offsets(%dma_start3A_87 : memref<80xi32, #tpu.memory_space<vmem>>) semaphore(%arg16 : memref<!tpu.dma_semaphore, #tpu.memory_space<semaphore_mem>>) {add = true}
    %scan3A_91 = arith.constant 0 : i32
    %scan3A_92 = arith.constant 82 : i32
    %scan3A_93 = arith.addi %scan3A_91, %scan3A_92 : i32
    %scan3A_94 = arith.constant 1 : i32
    scf.for %scan3A_238 = %scan3A_91 to %scan3A_93 step %scan3A_94  : i32 {
      %mul3A_239 = arith.constant 3 : i32
      %mul3A_240 = arith.muli %mul3A_239, %scan3A_238 : i32
      %add3A_241 = arith.constant 1 : i32
      %add3A_242 = arith.addi %mul3A_240, %add3A_241 : i32
      %sub3A_243 = arith.constant 1 : i32
      %sub3A_244 = arith.subi %add3A_242, %sub3A_243 : i32
      %dma_wait3A_245 = arith.constant 0 : i32
      %dma_wait3A_246 = arith.constant 0 : i32
      %dma_wait3A_247 = arith.constant 0 : i32
      %dma_wait3A_248 = tpu.memref_slice %arg10[%dma_wait3A_245, %dma_wait3A_246, %dma_wait3A_247] : memref<3x80x64xf32, #tpu.memory_space<vmem>> -> memref<1x80x64xf32, #tpu.memory_space<vmem>>
      %dma_wait3A_249 = tpu.memref_squeeze %dma_wait3A_248 : memref<1x80x64xf32, #tpu.memory_space<vmem>> -> memref<80x64xf32, #tpu.memory_space<vmem>>
      %dma_wait3A_250 = arith.constant 0 : i32
      %dma_wait3A_251 = tpu.memref_slice %arg8[%sub3A_244, %dma_wait3A_250] : memref<250x80xi32, #tpu.memory_space<vmem>> -> memref<1x80xi32, #tpu.memory_space<vmem>>
      %dma_wait3A_252 = tpu.memref_squeeze %dma_wait3A_251 : memref<1x80xi32, #tpu.memory_space<vmem>> -> memref<80xi32, #tpu.memory_space<vmem>>
      %dma_wait3A_253 = arith.constant 0 : i32
      %dma_wait3A_254 = arith.constant 0 : i32
      %dma_wait3A_255 = tpu.memref_slice %arg12[%dma_wait3A_253, %dma_wait3A_254] : memref<10000x64xf32, #tpu.memory_space<vmem_shared>> -> memref<10000x64xf32, #tpu.memory_space<vmem_shared>>
      tpu.wait_indirect_dma semaphore(%arg16 : memref<!tpu.dma_semaphore, #tpu.memory_space<semaphore_mem>>) src(%dma_wait3A_249 : memref<80x64xf32, #tpu.memory_space<vmem>>) dst(%dma_wait3A_255 : memref<10000x64xf32, #tpu.memory_space<vmem_shared>>)
      %add3A_256 = arith.constant 2 : i32
      %add3A_257 = arith.addi %add3A_242, %add3A_256 : i32
      %mul3A_258 = arith.constant 80 : i32
      %mul3A_259 = arith.muli %add3A_257, %mul3A_258 : i32
      %dma_start3A_260 = arith.constant 0 : i32
      %dma_start3A_261 = arith.constant 0 : i32
      %dma_start3A_262 = arith.constant 0 : i32
      %dma_start3A_263 = tpu.memref_slice %arg10[%dma_start3A_260, %dma_start3A_261, %dma_start3A_262] : memref<3x80x64xf32, #tpu.memory_space<vmem>> -> memref<1x80x64xf32, #tpu.memory_space<vmem>>
      %dma_start3A_264 = tpu.memref_squeeze %dma_start3A_263 : memref<1x80x64xf32, #tpu.memory_space<vmem>> -> memref<80x64xf32, #tpu.memory_space<vmem>>
      %dma_start3A_265 = tpu.memref_slice %arg7[%mul3A_259] : memref<20000xi32, #tpu.memory_space<vmem>> -> memref<80xi32, #tpu.memory_space<vmem>>
      %dma_start3A_266 = arith.constant 0 : i32
      %dma_start3A_267 = arith.constant 0 : i32
      %dma_start3A_268 = tpu.memref_slice %arg2[%dma_start3A_266, %dma_start3A_267] : memref<20000x64xf32, #tpu.memory_space<hbm>> -> memref<20000x64xf32, #tpu.memory_space<hbm>>
      tpu.enqueue_indirect_dma source(%dma_start3A_268 : memref<20000x64xf32, #tpu.memory_space<hbm>>) target(%dma_start3A_264 : memref<80x64xf32, #tpu.memory_space<vmem>>) offsets(%dma_start3A_265 : memref<80xi32, #tpu.memory_space<vmem>>) semaphore(%arg13 : memref<!tpu.dma_semaphore, #tpu.memory_space<semaphore_mem>>)
      %mul3A_269 = arith.constant 80 : i32
      %mul3A_270 = arith.muli %add3A_242, %mul3A_269 : i32
      %dma_wait3A_271 = arith.constant 1 : i32
      %dma_wait3A_272 = arith.constant 0 : i32
      %dma_wait3A_273 = arith.constant 0 : i32
      %dma_wait3A_274 = tpu.memref_slice %arg10[%dma_wait3A_271, %dma_wait3A_272, %dma_wait3A_273] : memref<3x80x64xf32, #tpu.memory_space<vmem>> -> memref<1x80x64xf32, #tpu.memory_space<vmem>>
      %dma_wait3A_275 = tpu.memref_squeeze %dma_wait3A_274 : memref<1x80x64xf32, #tpu.memory_space<vmem>> -> memref<80x64xf32, #tpu.memory_space<vmem>>
      %dma_wait3A_276 = tpu.memref_slice %arg7[%mul3A_270] : memref<20000xi32, #tpu.memory_space<vmem>> -> memref<80xi32, #tpu.memory_space<vmem>>
      %dma_wait3A_277 = arith.constant 0 : i32
      %dma_wait3A_278 = arith.constant 0 : i32
      %dma_wait3A_279 = tpu.memref_slice %arg2[%dma_wait3A_277, %dma_wait3A_278] : memref<20000x64xf32, #tpu.memory_space<hbm>> -> memref<20000x64xf32, #tpu.memory_space<hbm>>
      tpu.wait_indirect_dma semaphore(%arg14 : memref<!tpu.dma_semaphore, #tpu.memory_space<semaphore_mem>>) src(%dma_wait3A_279 : memref<20000x64xf32, #tpu.memory_space<hbm>>) dst(%dma_wait3A_275 : memref<80x64xf32, #tpu.memory_space<vmem>>)
      %dma_start3A_280 = arith.constant 1 : i32
      %dma_start3A_281 = arith.constant 0 : i32
      %dma_start3A_282 = arith.constant 0 : i32
      %dma_start3A_283 = tpu.memref_slice %arg10[%dma_start3A_280, %dma_start3A_281, %dma_start3A_282] : memref<3x80x64xf32, #tpu.memory_space<vmem>> -> memref<1x80x64xf32, #tpu.memory_space<vmem>>
      %dma_start3A_284 = tpu.memref_squeeze %dma_start3A_283 : memref<1x80x64xf32, #tpu.memory_space<vmem>> -> memref<80x64xf32, #tpu.memory_space<vmem>>
      %dma_start3A_285 = arith.constant 0 : i32
      %dma_start3A_286 = tpu.memref_slice %arg8[%add3A_242, %dma_start3A_285] : memref<250x80xi32, #tpu.memory_space<vmem>> -> memref<1x80xi32, #tpu.memory_space<vmem>>
      %dma_start3A_287 = tpu.memref_squeeze %dma_start3A_286 : memref<1x80xi32, #tpu.memory_space<vmem>> -> memref<80xi32, #tpu.memory_space<vmem>>
      %dma_start3A_288 = arith.constant 0 : i32
      %dma_start3A_289 = arith.constant 0 : i32
      %dma_start3A_290 = tpu.memref_slice %arg12[%dma_start3A_288, %dma_start3A_289] : memref<10000x64xf32, #tpu.memory_space<vmem_shared>> -> memref<10000x64xf32, #tpu.memory_space<vmem_shared>>
      tpu.enqueue_indirect_dma source(%dma_start3A_284 : memref<80x64xf32, #tpu.memory_space<vmem>>) target(%dma_start3A_290 : memref<10000x64xf32, #tpu.memory_space<vmem_shared>>) offsets(%dma_start3A_287 : memref<80xi32, #tpu.memory_space<vmem>>) semaphore(%arg17 : memref<!tpu.dma_semaphore, #tpu.memory_space<semaphore_mem>>) {add = true}
      %mul3A_291 = arith.constant 3 : i32
      %mul3A_292 = arith.muli %mul3A_291, %scan3A_238 : i32
      %add3A_293 = arith.constant 2 : i32
      %add3A_294 = arith.addi %mul3A_292, %add3A_293 : i32
      %sub3A_295 = arith.constant 1 : i32
      %sub3A_296 = arith.subi %add3A_294, %sub3A_295 : i32
      %dma_wait3A_297 = arith.constant 1 : i32
      %dma_wait3A_298 = arith.constant 0 : i32
      %dma_wait3A_299 = arith.constant 0 : i32
      %dma_wait3A_300 = tpu.memref_slice %arg10[%dma_wait3A_297, %dma_wait3A_298, %dma_wait3A_299] : memref<3x80x64xf32, #tpu.memory_space<vmem>> -> memref<1x80x64xf32, #tpu.memory_space<vmem>>
      %dma_wait3A_301 = tpu.memref_squeeze %dma_wait3A_300 : memref<1x80x64xf32, #tpu.memory_space<vmem>> -> memref<80x64xf32, #tpu.memory_space<vmem>>
      %dma_wait3A_302 = arith.constant 0 : i32
      %dma_wait3A_303 = tpu.memref_slice %arg8[%sub3A_296, %dma_wait3A_302] : memref<250x80xi32, #tpu.memory_space<vmem>> -> memref<1x80xi32, #tpu.memory_space<vmem>>
      %dma_wait3A_304 = tpu.memref_squeeze %dma_wait3A_303 : memref<1x80xi32, #tpu.memory_space<vmem>> -> memref<80xi32, #tpu.memory_space<vmem>>
      %dma_wait3A_305 = arith.constant 0 : i32
      %dma_wait3A_306 = arith.constant 0 : i32
      %dma_wait3A_307 = tpu.memref_slice %arg12[%dma_wait3A_305, %dma_wait3A_306] : memref<10000x64xf32, #tpu.memory_space<vmem_shared>> -> memref<10000x64xf32, #tpu.memory_space<vmem_shared>>
      tpu.wait_indirect_dma semaphore(%arg17 : memref<!tpu.dma_semaphore, #tpu.memory_space<semaphore_mem>>) src(%dma_wait3A_301 : memref<80x64xf32, #tpu.memory_space<vmem>>) dst(%dma_wait3A_307 : memref<10000x64xf32, #tpu.memory_space<vmem_shared>>)
      %add3A_308 = arith.constant 2 : i32
      %add3A_309 = arith.addi %add3A_294, %add3A_308 : i32
      %mul3A_310 = arith.constant 80 : i32
      %mul3A_311 = arith.muli %add3A_309, %mul3A_310 : i32
      %dma_start3A_312 = arith.constant 1 : i32
      %dma_start3A_313 = arith.constant 0 : i32
      %dma_start3A_314 = arith.constant 0 : i32
      %dma_start3A_315 = tpu.memref_slice %arg10[%dma_start3A_312, %dma_start3A_313, %dma_start3A_314] : memref<3x80x64xf32, #tpu.memory_space<vmem>> -> memref<1x80x64xf32, #tpu.memory_space<vmem>>
      %dma_start3A_316 = tpu.memref_squeeze %dma_start3A_315 : memref<1x80x64xf32, #tpu.memory_space<vmem>> -> memref<80x64xf32, #tpu.memory_space<vmem>>
      %dma_start3A_317 = tpu.memref_slice %arg7[%mul3A_311] : memref<20000xi32, #tpu.memory_space<vmem>> -> memref<80xi32, #tpu.memory_space<vmem>>
      %dma_start3A_318 = arith.constant 0 : i32
      %dma_start3A_319 = arith.constant 0 : i32
      %dma_start3A_320 = tpu.memref_slice %arg2[%dma_start3A_318, %dma_start3A_319] : memref<20000x64xf32, #tpu.memory_space<hbm>> -> memref<20000x64xf32, #tpu.memory_space<hbm>>
      tpu.enqueue_indirect_dma source(%dma_start3A_320 : memref<20000x64xf32, #tpu.memory_space<hbm>>) target(%dma_start3A_316 : memref<80x64xf32, #tpu.memory_space<vmem>>) offsets(%dma_start3A_317 : memref<80xi32, #tpu.memory_space<vmem>>) semaphore(%arg14 : memref<!tpu.dma_semaphore, #tpu.memory_space<semaphore_mem>>)
      %mul3A_321 = arith.constant 80 : i32
      %mul3A_322 = arith.muli %add3A_294, %mul3A_321 : i32
      %dma_wait3A_323 = arith.constant 2 : i32
      %dma_wait3A_324 = arith.constant 0 : i32
      %dma_wait3A_325 = arith.constant 0 : i32
      %dma_wait3A_326 = tpu.memref_slice %arg10[%dma_wait3A_323, %dma_wait3A_324, %dma_wait3A_325] : memref<3x80x64xf32, #tpu.memory_space<vmem>> -> memref<1x80x64xf32, #tpu.memory_space<vmem>>
      %dma_wait3A_327 = tpu.memref_squeeze %dma_wait3A_326 : memref<1x80x64xf32, #tpu.memory_space<vmem>> -> memref<80x64xf32, #tpu.memory_space<vmem>>
      %dma_wait3A_328 = tpu.memref_slice %arg7[%mul3A_322] : memref<20000xi32, #tpu.memory_space<vmem>> -> memref<80xi32, #tpu.memory_space<vmem>>
      %dma_wait3A_329 = arith.constant 0 : i32
      %dma_wait3A_330 = arith.constant 0 : i32
      %dma_wait3A_331 = tpu.memref_slice %arg2[%dma_wait3A_329, %dma_wait3A_330] : memref<20000x64xf32, #tpu.memory_space<hbm>> -> memref<20000x64xf32, #tpu.memory_space<hbm>>
      tpu.wait_indirect_dma semaphore(%arg15 : memref<!tpu.dma_semaphore, #tpu.memory_space<semaphore_mem>>) src(%dma_wait3A_331 : memref<20000x64xf32, #tpu.memory_space<hbm>>) dst(%dma_wait3A_327 : memref<80x64xf32, #tpu.memory_space<vmem>>)
      %dma_start3A_332 = arith.constant 2 : i32
      %dma_start3A_333 = arith.constant 0 : i32
      %dma_start3A_334 = arith.constant 0 : i32
      %dma_start3A_335 = tpu.memref_slice %arg10[%dma_start3A_332, %dma_start3A_333, %dma_start3A_334] : memref<3x80x64xf32, #tpu.memory_space<vmem>> -> memref<1x80x64xf32, #tpu.memory_space<vmem>>
      %dma_start3A_336 = tpu.memref_squeeze %dma_start3A_335 : memref<1x80x64xf32, #tpu.memory_space<vmem>> -> memref<80x64xf32, #tpu.memory_space<vmem>>
      %dma_start3A_337 = arith.constant 0 : i32
      %dma_start3A_338 = tpu.memref_slice %arg8[%add3A_294, %dma_start3A_337] : memref<250x80xi32, #tpu.memory_space<vmem>> -> memref<1x80xi32, #tpu.memory_space<vmem>>
      %dma_start3A_339 = tpu.memref_squeeze %dma_start3A_338 : memref<1x80xi32, #tpu.memory_space<vmem>> -> memref<80xi32, #tpu.memory_space<vmem>>
      %dma_start3A_340 = arith.constant 0 : i32
      %dma_start3A_341 = arith.constant 0 : i32
      %dma_start3A_342 = tpu.memref_slice %arg12[%dma_start3A_340, %dma_start3A_341] : memref<10000x64xf32, #tpu.memory_space<vmem_shared>> -> memref<10000x64xf32, #tpu.memory_space<vmem_shared>>
      tpu.enqueue_indirect_dma source(%dma_start3A_336 : memref<80x64xf32, #tpu.memory_space<vmem>>) target(%dma_start3A_342 : memref<10000x64xf32, #tpu.memory_space<vmem_shared>>) offsets(%dma_start3A_339 : memref<80xi32, #tpu.memory_space<vmem>>) semaphore(%arg18 : memref<!tpu.dma_semaphore, #tpu.memory_space<semaphore_mem>>) {add = true}
      %mul3A_343 = arith.constant 3 : i32
      %mul3A_344 = arith.muli %mul3A_343, %scan3A_238 : i32
      %add3A_345 = arith.constant 3 : i32
      %add3A_346 = arith.addi %mul3A_344, %add3A_345 : i32
      %sub3A_347 = arith.constant 1 : i32
      %sub3A_348 = arith.subi %add3A_346, %sub3A_347 : i32
      %dma_wait3A_349 = arith.constant 2 : i32
      %dma_wait3A_350 = arith.constant 0 : i32
      %dma_wait3A_351 = arith.constant 0 : i32
      %dma_wait3A_352 = tpu.memref_slice %arg10[%dma_wait3A_349, %dma_wait3A_350, %dma_wait3A_351] : memref<3x80x64xf32, #tpu.memory_space<vmem>> -> memref<1x80x64xf32, #tpu.memory_space<vmem>>
      %dma_wait3A_353 = tpu.memref_squeeze %dma_wait3A_352 : memref<1x80x64xf32, #tpu.memory_space<vmem>> -> memref<80x64xf32, #tpu.memory_space<vmem>>
      %dma_wait3A_354 = arith.constant 0 : i32
      %dma_wait3A_355 = tpu.memref_slice %arg8[%sub3A_348, %dma_wait3A_354] : memref<250x80xi32, #tpu.memory_space<vmem>> -> memref<1x80xi32, #tpu.memory_space<vmem>>
      %dma_wait3A_356 = tpu.memref_squeeze %dma_wait3A_355 : memref<1x80xi32, #tpu.memory_space<vmem>> -> memref<80xi32, #tpu.memory_space<vmem>>
      %dma_wait3A_357 = arith.constant 0 : i32
      %dma_wait3A_358 = arith.constant 0 : i32
      %dma_wait3A_359 = tpu.memref_slice %arg12[%dma_wait3A_357, %dma_wait3A_358] : memref<10000x64xf32, #tpu.memory_space<vmem_shared>> -> memref<10000x64xf32, #tpu.memory_space<vmem_shared>>
      tpu.wait_indirect_dma semaphore(%arg18 : memref<!tpu.dma_semaphore, #tpu.memory_space<semaphore_mem>>) src(%dma_wait3A_353 : memref<80x64xf32, #tpu.memory_space<vmem>>) dst(%dma_wait3A_359 : memref<10000x64xf32, #tpu.memory_space<vmem_shared>>)
      %add3A_360 = arith.constant 2 : i32
      %add3A_361 = arith.addi %add3A_346, %add3A_360 : i32
      %mul3A_362 = arith.constant 80 : i32
      %mul3A_363 = arith.muli %add3A_361, %mul3A_362 : i32
      %dma_start3A_364 = arith.constant 2 : i32
      %dma_start3A_365 = arith.constant 0 : i32
      %dma_start3A_366 = arith.constant 0 : i32
      %dma_start3A_367 = tpu.memref_slice %arg10[%dma_start3A_364, %dma_start3A_365, %dma_start3A_366] : memref<3x80x64xf32, #tpu.memory_space<vmem>> -> memref<1x80x64xf32, #tpu.memory_space<vmem>>
      %dma_start3A_368 = tpu.memref_squeeze %dma_start3A_367 : memref<1x80x64xf32, #tpu.memory_space<vmem>> -> memref<80x64xf32, #tpu.memory_space<vmem>>
      %dma_start3A_369 = tpu.memref_slice %arg7[%mul3A_363] : memref<20000xi32, #tpu.memory_space<vmem>> -> memref<80xi32, #tpu.memory_space<vmem>>
      %dma_start3A_370 = arith.constant 0 : i32
      %dma_start3A_371 = arith.constant 0 : i32
      %dma_start3A_372 = tpu.memref_slice %arg2[%dma_start3A_370, %dma_start3A_371] : memref<20000x64xf32, #tpu.memory_space<hbm>> -> memref<20000x64xf32, #tpu.memory_space<hbm>>
      tpu.enqueue_indirect_dma source(%dma_start3A_372 : memref<20000x64xf32, #tpu.memory_space<hbm>>) target(%dma_start3A_368 : memref<80x64xf32, #tpu.memory_space<vmem>>) offsets(%dma_start3A_369 : memref<80xi32, #tpu.memory_space<vmem>>) semaphore(%arg15 : memref<!tpu.dma_semaphore, #tpu.memory_space<semaphore_mem>>)
      %mul3A_373 = arith.constant 80 : i32
      %mul3A_374 = arith.muli %add3A_346, %mul3A_373 : i32
      %dma_wait3A_375 = arith.constant 0 : i32
      %dma_wait3A_376 = arith.constant 0 : i32
      %dma_wait3A_377 = arith.constant 0 : i32
      %dma_wait3A_378 = tpu.memref_slice %arg10[%dma_wait3A_375, %dma_wait3A_376, %dma_wait3A_377] : memref<3x80x64xf32, #tpu.memory_space<vmem>> -> memref<1x80x64xf32, #tpu.memory_space<vmem>>
      %dma_wait3A_379 = tpu.memref_squeeze %dma_wait3A_378 : memref<1x80x64xf32, #tpu.memory_space<vmem>> -> memref<80x64xf32, #tpu.memory_space<vmem>>
      %dma_wait3A_380 = tpu.memref_slice %arg7[%mul3A_374] : memref<20000xi32, #tpu.memory_space<vmem>> -> memref<80xi32, #tpu.memory_space<vmem>>
      %dma_wait3A_381 = arith.constant 0 : i32
      %dma_wait3A_382 = arith.constant 0 : i32
      %dma_wait3A_383 = tpu.memref_slice %arg2[%dma_wait3A_381, %dma_wait3A_382] : memref<20000x64xf32, #tpu.memory_space<hbm>> -> memref<20000x64xf32, #tpu.memory_space<hbm>>
      tpu.wait_indirect_dma semaphore(%arg13 : memref<!tpu.dma_semaphore, #tpu.memory_space<semaphore_mem>>) src(%dma_wait3A_383 : memref<20000x64xf32, #tpu.memory_space<hbm>>) dst(%dma_wait3A_379 : memref<80x64xf32, #tpu.memory_space<vmem>>)
      %dma_start3A_384 = arith.constant 0 : i32
      %dma_start3A_385 = arith.constant 0 : i32
      %dma_start3A_386 = arith.constant 0 : i32
      %dma_start3A_387 = tpu.memref_slice %arg10[%dma_start3A_384, %dma_start3A_385, %dma_start3A_386] : memref<3x80x64xf32, #tpu.memory_space<vmem>> -> memref<1x80x64xf32, #tpu.memory_space<vmem>>
      %dma_start3A_388 = tpu.memref_squeeze %dma_start3A_387 : memref<1x80x64xf32, #tpu.memory_space<vmem>> -> memref<80x64xf32, #tpu.memory_space<vmem>>
      %dma_start3A_389 = arith.constant 0 : i32
      %dma_start3A_390 = tpu.memref_slice %arg8[%add3A_346, %dma_start3A_389] : memref<250x80xi32, #tpu.memory_space<vmem>> -> memref<1x80xi32, #tpu.memory_space<vmem>>
      %dma_start3A_391 = tpu.memref_squeeze %dma_start3A_390 : memref<1x80xi32, #tpu.memory_space<vmem>> -> memref<80xi32, #tpu.memory_space<vmem>>
      %dma_start3A_392 = arith.constant 0 : i32
      %dma_start3A_393 = arith.constant 0 : i32
      %dma_start3A_394 = tpu.memref_slice %arg12[%dma_start3A_392, %dma_start3A_393] : memref<10000x64xf32, #tpu.memory_space<vmem_shared>> -> memref<10000x64xf32, #tpu.memory_space<vmem_shared>>
      tpu.enqueue_indirect_dma source(%dma_start3A_388 : memref<80x64xf32, #tpu.memory_space<vmem>>) target(%dma_start3A_394 : memref<10000x64xf32, #tpu.memory_space<vmem_shared>>) offsets(%dma_start3A_391 : memref<80xi32, #tpu.memory_space<vmem>>) semaphore(%arg16 : memref<!tpu.dma_semaphore, #tpu.memory_space<semaphore_mem>>) {add = true}
    }
    %scan3A_95 = arith.constant 82 : i32
    %sub3A = arith.constant 247 : i32
    %sub3A_96 = arith.constant 1 : i32
    %sub3A_97 = arith.subi %sub3A, %sub3A_96 : i32
    %dma_wait3A_98 = arith.constant 0 : i32
    %dma_wait3A_99 = arith.constant 0 : i32
    %dma_wait3A_100 = arith.constant 0 : i32
    %dma_wait3A_101 = tpu.memref_slice %arg10[%dma_wait3A_98, %dma_wait3A_99, %dma_wait3A_100] : memref<3x80x64xf32, #tpu.memory_space<vmem>> -> memref<1x80x64xf32, #tpu.memory_space<vmem>>
    %dma_wait3A_102 = tpu.memref_squeeze %dma_wait3A_101 : memref<1x80x64xf32, #tpu.memory_space<vmem>> -> memref<80x64xf32, #tpu.memory_space<vmem>>
    %dma_wait3A_103 = arith.constant 0 : i32
    %dma_wait3A_104 = tpu.memref_slice %arg8[%sub3A_97, %dma_wait3A_103] : memref<250x80xi32, #tpu.memory_space<vmem>> -> memref<1x80xi32, #tpu.memory_space<vmem>>
    %dma_wait3A_105 = tpu.memref_squeeze %dma_wait3A_104 : memref<1x80xi32, #tpu.memory_space<vmem>> -> memref<80xi32, #tpu.memory_space<vmem>>
    %dma_wait3A_106 = arith.constant 0 : i32
    %dma_wait3A_107 = arith.constant 0 : i32
    %dma_wait3A_108 = tpu.memref_slice %arg12[%dma_wait3A_106, %dma_wait3A_107] : memref<10000x64xf32, #tpu.memory_space<vmem_shared>> -> memref<10000x64xf32, #tpu.memory_space<vmem_shared>>
    tpu.wait_indirect_dma semaphore(%arg16 : memref<!tpu.dma_semaphore, #tpu.memory_space<semaphore_mem>>) src(%dma_wait3A_102 : memref<80x64xf32, #tpu.memory_space<vmem>>) dst(%dma_wait3A_108 : memref<10000x64xf32, #tpu.memory_space<vmem_shared>>)
    %add3A_109 = arith.constant 247 : i32
    %add3A_110 = arith.constant 2 : i32
    %add3A_111 = arith.addi %add3A_109, %add3A_110 : i32
    %mul3A_112 = arith.constant 80 : i32
    %mul3A_113 = arith.muli %add3A_111, %mul3A_112 : i32
    %dma_start3A_114 = arith.constant 0 : i32
    %dma_start3A_115 = arith.constant 0 : i32
    %dma_start3A_116 = arith.constant 0 : i32
    %dma_start3A_117 = tpu.memref_slice %arg10[%dma_start3A_114, %dma_start3A_115, %dma_start3A_116] : memref<3x80x64xf32, #tpu.memory_space<vmem>> -> memref<1x80x64xf32, #tpu.memory_space<vmem>>
    %dma_start3A_118 = tpu.memref_squeeze %dma_start3A_117 : memref<1x80x64xf32, #tpu.memory_space<vmem>> -> memref<80x64xf32, #tpu.memory_space<vmem>>
    %dma_start3A_119 = tpu.memref_slice %arg7[%mul3A_113] : memref<20000xi32, #tpu.memory_space<vmem>> -> memref<80xi32, #tpu.memory_space<vmem>>
    %dma_start3A_120 = arith.constant 0 : i32
    %dma_start3A_121 = arith.constant 0 : i32
    %dma_start3A_122 = tpu.memref_slice %arg2[%dma_start3A_120, %dma_start3A_121] : memref<20000x64xf32, #tpu.memory_space<hbm>> -> memref<20000x64xf32, #tpu.memory_space<hbm>>
    tpu.enqueue_indirect_dma source(%dma_start3A_122 : memref<20000x64xf32, #tpu.memory_space<hbm>>) target(%dma_start3A_118 : memref<80x64xf32, #tpu.memory_space<vmem>>) offsets(%dma_start3A_119 : memref<80xi32, #tpu.memory_space<vmem>>) semaphore(%arg13 : memref<!tpu.dma_semaphore, #tpu.memory_space<semaphore_mem>>)
    %mul3A_123 = arith.constant 247 : i32
    %mul3A_124 = arith.constant 80 : i32
    %mul3A_125 = arith.muli %mul3A_123, %mul3A_124 : i32
    %dma_wait3A_126 = arith.constant 1 : i32
    %dma_wait3A_127 = arith.constant 0 : i32
    %dma_wait3A_128 = arith.constant 0 : i32
    %dma_wait3A_129 = tpu.memref_slice %arg10[%dma_wait3A_126, %dma_wait3A_127, %dma_wait3A_128] : memref<3x80x64xf32, #tpu.memory_space<vmem>> -> memref<1x80x64xf32, #tpu.memory_space<vmem>>
    %dma_wait3A_130 = tpu.memref_squeeze %dma_wait3A_129 : memref<1x80x64xf32, #tpu.memory_space<vmem>> -> memref<80x64xf32, #tpu.memory_space<vmem>>
    %dma_wait3A_131 = tpu.memref_slice %arg7[%mul3A_125] : memref<20000xi32, #tpu.memory_space<vmem>> -> memref<80xi32, #tpu.memory_space<vmem>>
    %dma_wait3A_132 = arith.constant 0 : i32
    %dma_wait3A_133 = arith.constant 0 : i32
    %dma_wait3A_134 = tpu.memref_slice %arg2[%dma_wait3A_132, %dma_wait3A_133] : memref<20000x64xf32, #tpu.memory_space<hbm>> -> memref<20000x64xf32, #tpu.memory_space<hbm>>
    tpu.wait_indirect_dma semaphore(%arg14 : memref<!tpu.dma_semaphore, #tpu.memory_space<semaphore_mem>>) src(%dma_wait3A_134 : memref<20000x64xf32, #tpu.memory_space<hbm>>) dst(%dma_wait3A_130 : memref<80x64xf32, #tpu.memory_space<vmem>>)
    %dma_start3A_135 = arith.constant 1 : i32
    %dma_start3A_136 = arith.constant 247 : i32
    %dma_start3A_137 = arith.constant 0 : i32
    %dma_start3A_138 = arith.constant 0 : i32
    %dma_start3A_139 = tpu.memref_slice %arg10[%dma_start3A_135, %dma_start3A_137, %dma_start3A_138] : memref<3x80x64xf32, #tpu.memory_space<vmem>> -> memref<1x80x64xf32, #tpu.memory_space<vmem>>
    %dma_start3A_140 = tpu.memref_squeeze %dma_start3A_139 : memref<1x80x64xf32, #tpu.memory_space<vmem>> -> memref<80x64xf32, #tpu.memory_space<vmem>>
    %dma_start3A_141 = arith.constant 0 : i32
    %dma_start3A_142 = tpu.memref_slice %arg8[%dma_start3A_136, %dma_start3A_141] : memref<250x80xi32, #tpu.memory_space<vmem>> -> memref<1x80xi32, #tpu.memory_space<vmem>>
    %dma_start3A_143 = tpu.memref_squeeze %dma_start3A_142 : memref<1x80xi32, #tpu.memory_space<vmem>> -> memref<80xi32, #tpu.memory_space<vmem>>
    %dma_start3A_144 = arith.constant 0 : i32
    %dma_start3A_145 = arith.constant 0 : i32
    %dma_start3A_146 = tpu.memref_slice %arg12[%dma_start3A_144, %dma_start3A_145] : memref<10000x64xf32, #tpu.memory_space<vmem_shared>> -> memref<10000x64xf32, #tpu.memory_space<vmem_shared>>
    tpu.enqueue_indirect_dma source(%dma_start3A_140 : memref<80x64xf32, #tpu.memory_space<vmem>>) target(%dma_start3A_146 : memref<10000x64xf32, #tpu.memory_space<vmem_shared>>) offsets(%dma_start3A_143 : memref<80xi32, #tpu.memory_space<vmem>>) semaphore(%arg17 : memref<!tpu.dma_semaphore, #tpu.memory_space<semaphore_mem>>) {add = true}
    %mul3A_147 = arith.constant 248 : i32
    %mul3A_148 = arith.constant 80 : i32
    %mul3A_149 = arith.muli %mul3A_147, %mul3A_148 : i32
    %dma_wait3A_150 = arith.constant 2 : i32
    %dma_wait3A_151 = arith.constant 0 : i32
    %dma_wait3A_152 = arith.constant 0 : i32
    %dma_wait3A_153 = tpu.memref_slice %arg10[%dma_wait3A_150, %dma_wait3A_151, %dma_wait3A_152] : memref<3x80x64xf32, #tpu.memory_space<vmem>> -> memref<1x80x64xf32, #tpu.memory_space<vmem>>
    %dma_wait3A_154 = tpu.memref_squeeze %dma_wait3A_153 : memref<1x80x64xf32, #tpu.memory_space<vmem>> -> memref<80x64xf32, #tpu.memory_space<vmem>>
    %dma_wait3A_155 = tpu.memref_slice %arg7[%mul3A_149] : memref<20000xi32, #tpu.memory_space<vmem>> -> memref<80xi32, #tpu.memory_space<vmem>>
    %dma_wait3A_156 = arith.constant 0 : i32
    %dma_wait3A_157 = arith.constant 0 : i32
    %dma_wait3A_158 = tpu.memref_slice %arg2[%dma_wait3A_156, %dma_wait3A_157] : memref<20000x64xf32, #tpu.memory_space<hbm>> -> memref<20000x64xf32, #tpu.memory_space<hbm>>
    tpu.wait_indirect_dma semaphore(%arg15 : memref<!tpu.dma_semaphore, #tpu.memory_space<semaphore_mem>>) src(%dma_wait3A_158 : memref<20000x64xf32, #tpu.memory_space<hbm>>) dst(%dma_wait3A_154 : memref<80x64xf32, #tpu.memory_space<vmem>>)
    %dma_start3A_159 = arith.constant 2 : i32
    %dma_start3A_160 = arith.constant 248 : i32
    %dma_start3A_161 = arith.constant 0 : i32
    %dma_start3A_162 = arith.constant 0 : i32
    %dma_start3A_163 = tpu.memref_slice %arg10[%dma_start3A_159, %dma_start3A_161, %dma_start3A_162] : memref<3x80x64xf32, #tpu.memory_space<vmem>> -> memref<1x80x64xf32, #tpu.memory_space<vmem>>
    %dma_start3A_164 = tpu.memref_squeeze %dma_start3A_163 : memref<1x80x64xf32, #tpu.memory_space<vmem>> -> memref<80x64xf32, #tpu.memory_space<vmem>>
    %dma_start3A_165 = arith.constant 0 : i32
    %dma_start3A_166 = tpu.memref_slice %arg8[%dma_start3A_160, %dma_start3A_165] : memref<250x80xi32, #tpu.memory_space<vmem>> -> memref<1x80xi32, #tpu.memory_space<vmem>>
    %dma_start3A_167 = tpu.memref_squeeze %dma_start3A_166 : memref<1x80xi32, #tpu.memory_space<vmem>> -> memref<80xi32, #tpu.memory_space<vmem>>
    %dma_start3A_168 = arith.constant 0 : i32
    %dma_start3A_169 = arith.constant 0 : i32
    %dma_start3A_170 = tpu.memref_slice %arg12[%dma_start3A_168, %dma_start3A_169] : memref<10000x64xf32, #tpu.memory_space<vmem_shared>> -> memref<10000x64xf32, #tpu.memory_space<vmem_shared>>
    tpu.enqueue_indirect_dma source(%dma_start3A_164 : memref<80x64xf32, #tpu.memory_space<vmem>>) target(%dma_start3A_170 : memref<10000x64xf32, #tpu.memory_space<vmem_shared>>) offsets(%dma_start3A_167 : memref<80xi32, #tpu.memory_space<vmem>>) semaphore(%arg18 : memref<!tpu.dma_semaphore, #tpu.memory_space<semaphore_mem>>) {add = true}
    %mul3A_171 = arith.constant 249 : i32
    %mul3A_172 = arith.constant 80 : i32
    %mul3A_173 = arith.muli %mul3A_171, %mul3A_172 : i32
    %dma_wait3A_174 = arith.constant 0 : i32
    %dma_wait3A_175 = arith.constant 0 : i32
    %dma_wait3A_176 = arith.constant 0 : i32
    %dma_wait3A_177 = tpu.memref_slice %arg10[%dma_wait3A_174, %dma_wait3A_175, %dma_wait3A_176] : memref<3x80x64xf32, #tpu.memory_space<vmem>> -> memref<1x80x64xf32, #tpu.memory_space<vmem>>
    %dma_wait3A_178 = tpu.memref_squeeze %dma_wait3A_177 : memref<1x80x64xf32, #tpu.memory_space<vmem>> -> memref<80x64xf32, #tpu.memory_space<vmem>>
    %dma_wait3A_179 = tpu.memref_slice %arg7[%mul3A_173] : memref<20000xi32, #tpu.memory_space<vmem>> -> memref<80xi32, #tpu.memory_space<vmem>>
    %dma_wait3A_180 = arith.constant 0 : i32
    %dma_wait3A_181 = arith.constant 0 : i32
    %dma_wait3A_182 = tpu.memref_slice %arg2[%dma_wait3A_180, %dma_wait3A_181] : memref<20000x64xf32, #tpu.memory_space<hbm>> -> memref<20000x64xf32, #tpu.memory_space<hbm>>
    tpu.wait_indirect_dma semaphore(%arg13 : memref<!tpu.dma_semaphore, #tpu.memory_space<semaphore_mem>>) src(%dma_wait3A_182 : memref<20000x64xf32, #tpu.memory_space<hbm>>) dst(%dma_wait3A_178 : memref<80x64xf32, #tpu.memory_space<vmem>>)
    %dma_start3A_183 = arith.constant 0 : i32
    %dma_start3A_184 = arith.constant 249 : i32
    %dma_start3A_185 = arith.constant 0 : i32
    %dma_start3A_186 = arith.constant 0 : i32
    %dma_start3A_187 = tpu.memref_slice %arg10[%dma_start3A_183, %dma_start3A_185, %dma_start3A_186] : memref<3x80x64xf32, #tpu.memory_space<vmem>> -> memref<1x80x64xf32, #tpu.memory_space<vmem>>
    %dma_start3A_188 = tpu.memref_squeeze %dma_start3A_187 : memref<1x80x64xf32, #tpu.memory_space<vmem>> -> memref<80x64xf32, #tpu.memory_space<vmem>>
    %dma_start3A_189 = arith.constant 0 : i32
    %dma_start3A_190 = tpu.memref_slice %arg8[%dma_start3A_184, %dma_start3A_189] : memref<250x80xi32, #tpu.memory_space<vmem>> -> memref<1x80xi32, #tpu.memory_space<vmem>>
    %dma_start3A_191 = tpu.memref_squeeze %dma_start3A_190 : memref<1x80xi32, #tpu.memory_space<vmem>> -> memref<80xi32, #tpu.memory_space<vmem>>
    %dma_start3A_192 = arith.constant 0 : i32
    %dma_start3A_193 = arith.constant 0 : i32
    %dma_start3A_194 = tpu.memref_slice %arg12[%dma_start3A_192, %dma_start3A_193] : memref<10000x64xf32, #tpu.memory_space<vmem_shared>> -> memref<10000x64xf32, #tpu.memory_space<vmem_shared>>
    tpu.enqueue_indirect_dma source(%dma_start3A_188 : memref<80x64xf32, #tpu.memory_space<vmem>>) target(%dma_start3A_194 : memref<10000x64xf32, #tpu.memory_space<vmem_shared>>) offsets(%dma_start3A_191 : memref<80xi32, #tpu.memory_space<vmem>>) semaphore(%arg16 : memref<!tpu.dma_semaphore, #tpu.memory_space<semaphore_mem>>) {add = true}
    %dma_wait3A_195 = arith.constant 1 : i32
    %dma_wait3A_196 = arith.constant 247 : i32
    %dma_wait3A_197 = arith.constant 0 : i32
    %dma_wait3A_198 = arith.constant 0 : i32
    %dma_wait3A_199 = tpu.memref_slice %arg10[%dma_wait3A_195, %dma_wait3A_197, %dma_wait3A_198] : memref<3x80x64xf32, #tpu.memory_space<vmem>> -> memref<1x80x64xf32, #tpu.memory_space<vmem>>
    %dma_wait3A_200 = tpu.memref_squeeze %dma_wait3A_199 : memref<1x80x64xf32, #tpu.memory_space<vmem>> -> memref<80x64xf32, #tpu.memory_space<vmem>>
    %dma_wait3A_201 = arith.constant 0 : i32
    %dma_wait3A_202 = tpu.memref_slice %arg8[%dma_wait3A_196, %dma_wait3A_201] : memref<250x80xi32, #tpu.memory_space<vmem>> -> memref<1x80xi32, #tpu.memory_space<vmem>>
    %dma_wait3A_203 = tpu.memref_squeeze %dma_wait3A_202 : memref<1x80xi32, #tpu.memory_space<vmem>> -> memref<80xi32, #tpu.memory_space<vmem>>
    %dma_wait3A_204 = arith.constant 0 : i32
    %dma_wait3A_205 = arith.constant 0 : i32
    %dma_wait3A_206 = tpu.memref_slice %arg12[%dma_wait3A_204, %dma_wait3A_205] : memref<10000x64xf32, #tpu.memory_space<vmem_shared>> -> memref<10000x64xf32, #tpu.memory_space<vmem_shared>>
    tpu.wait_indirect_dma semaphore(%arg17 : memref<!tpu.dma_semaphore, #tpu.memory_space<semaphore_mem>>) src(%dma_wait3A_200 : memref<80x64xf32, #tpu.memory_space<vmem>>) dst(%dma_wait3A_206 : memref<10000x64xf32, #tpu.memory_space<vmem_shared>>)
    %dma_wait3A_207 = arith.constant 2 : i32
    %dma_wait3A_208 = arith.constant 248 : i32
    %dma_wait3A_209 = arith.constant 0 : i32
    %dma_wait3A_210 = arith.constant 0 : i32
    %dma_wait3A_211 = tpu.memref_slice %arg10[%dma_wait3A_207, %dma_wait3A_209, %dma_wait3A_210] : memref<3x80x64xf32, #tpu.memory_space<vmem>> -> memref<1x80x64xf32, #tpu.memory_space<vmem>>
    %dma_wait3A_212 = tpu.memref_squeeze %dma_wait3A_211 : memref<1x80x64xf32, #tpu.memory_space<vmem>> -> memref<80x64xf32, #tpu.memory_space<vmem>>
    %dma_wait3A_213 = arith.constant 0 : i32
    %dma_wait3A_214 = tpu.memref_slice %arg8[%dma_wait3A_208, %dma_wait3A_213] : memref<250x80xi32, #tpu.memory_space<vmem>> -> memref<1x80xi32, #tpu.memory_space<vmem>>
    %dma_wait3A_215 = tpu.memref_squeeze %dma_wait3A_214 : memref<1x80xi32, #tpu.memory_space<vmem>> -> memref<80xi32, #tpu.memory_space<vmem>>
    %dma_wait3A_216 = arith.constant 0 : i32
    %dma_wait3A_217 = arith.constant 0 : i32
    %dma_wait3A_218 = tpu.memref_slice %arg12[%dma_wait3A_216, %dma_wait3A_217] : memref<10000x64xf32, #tpu.memory_space<vmem_shared>> -> memref<10000x64xf32, #tpu.memory_space<vmem_shared>>
    tpu.wait_indirect_dma semaphore(%arg18 : memref<!tpu.dma_semaphore, #tpu.memory_space<semaphore_mem>>) src(%dma_wait3A_212 : memref<80x64xf32, #tpu.memory_space<vmem>>) dst(%dma_wait3A_218 : memref<10000x64xf32, #tpu.memory_space<vmem_shared>>)
    %dma_wait3A_219 = arith.constant 0 : i32
    %dma_wait3A_220 = arith.constant 249 : i32
    %dma_wait3A_221 = arith.constant 0 : i32
    %dma_wait3A_222 = arith.constant 0 : i32
    %dma_wait3A_223 = tpu.memref_slice %arg10[%dma_wait3A_219, %dma_wait3A_221, %dma_wait3A_222] : memref<3x80x64xf32, #tpu.memory_space<vmem>> -> memref<1x80x64xf32, #tpu.memory_space<vmem>>
    %dma_wait3A_224 = tpu.memref_squeeze %dma_wait3A_223 : memref<1x80x64xf32, #tpu.memory_space<vmem>> -> memref<80x64xf32, #tpu.memory_space<vmem>>
    %dma_wait3A_225 = arith.constant 0 : i32
    %dma_wait3A_226 = tpu.memref_slice %arg8[%dma_wait3A_220, %dma_wait3A_225] : memref<250x80xi32, #tpu.memory_space<vmem>> -> memref<1x80xi32, #tpu.memory_space<vmem>>
    %dma_wait3A_227 = tpu.memref_squeeze %dma_wait3A_226 : memref<1x80xi32, #tpu.memory_space<vmem>> -> memref<80xi32, #tpu.memory_space<vmem>>
    %dma_wait3A_228 = arith.constant 0 : i32
    %dma_wait3A_229 = arith.constant 0 : i32
    %dma_wait3A_230 = tpu.memref_slice %arg12[%dma_wait3A_228, %dma_wait3A_229] : memref<10000x64xf32, #tpu.memory_space<vmem_shared>> -> memref<10000x64xf32, #tpu.memory_space<vmem_shared>>
    tpu.wait_indirect_dma semaphore(%arg16 : memref<!tpu.dma_semaphore, #tpu.memory_space<semaphore_mem>>) src(%dma_wait3A_224 : memref<80x64xf32, #tpu.memory_space<vmem>>) dst(%dma_wait3A_230 : memref<10000x64xf32, #tpu.memory_space<vmem_shared>>)
    %barrier3A_231 = arith.constant 0 : index
    tpu.barrier barrier_id(%barrier3A_231)
    %mul3A_232 = arith.constant 625 : i32
    %mul3A_233 = arith.muli %arg1, %mul3A_232 : i32
    %mul3A_234 = arith.constant 625 : i32
    %mul3A_235 = arith.muli %arg1, %mul3A_234 : i32
    %mul3A_236 = arith.constant 64 : i32
    %mul3A_237 = arith.muli %arg0, %mul3A_236 : i32
    "tpu.region"() ({
      %run_scoped3A = tpu.sem_alloc : memref<!tpu.dma_semaphore, #tpu.memory_space<semaphore_mem>>
      %dma_start3A_238 = tpu.memref_slice %arg6[%mul3A_235, %mul3A_237] : memref<10000x128xf32, #tpu.memory_space<hbm>> -> memref<625x64xf32, #tpu.memory_space<hbm>>
      %dma_start3A_239 = arith.constant 0 : i32
      %dma_start3A_240 = tpu.memref_slice %arg12[%mul3A_233, %dma_start3A_239] : memref<10000x64xf32, #tpu.memory_space<vmem_shared>> -> memref<625x64xf32, #tpu.memory_space<vmem_shared>>
      tpu.enqueue_dma source(%dma_start3A_240 : memref<625x64xf32, #tpu.memory_space<vmem_shared>>) target(%dma_start3A_238 : memref<625x64xf32, #tpu.memory_space<hbm>>) target_semaphore(%run_scoped3A : memref<!tpu.dma_semaphore, #tpu.memory_space<semaphore_mem>>)
      %dma_wait3A_241 = tpu.memref_slice %arg6[%mul3A_235, %mul3A_237] : memref<10000x128xf32, #tpu.memory_space<hbm>> -> memref<625x64xf32, #tpu.memory_space<hbm>>
      %dma_wait3A_242 = arith.constant 0 : i32
      %dma_wait3A_243 = tpu.memref_slice %arg12[%mul3A_233, %dma_wait3A_242] : memref<10000x64xf32, #tpu.memory_space<vmem_shared>> -> memref<625x64xf32, #tpu.memory_space<vmem_shared>>
      tpu.wait_dma2 semaphore(%run_scoped3A : memref<!tpu.dma_semaphore, #tpu.memory_space<semaphore_mem>>) src(%dma_wait3A_243 : memref<625x64xf32, #tpu.memory_space<vmem_shared>>) dst(%dma_wait3A_241 : memref<625x64xf32, #tpu.memory_space<hbm>>)
      tpu.yield
    }) : () -> ()
    return
  }
}

module attributes {stable_mosaic.version = 14 : i64} {
  func.func @body(%arg0: i32, %arg1: i32, %arg2: memref<1000x128xf32, #tpu.memory_space<vmem>>, %arg3: memref<64x128xf32, #tpu.memory_space<vmem>>, %arg4: memref<1x1x64xf32, #tpu.memory_space<vmem>>, %arg5: memref<1000x64xf32, #tpu.memory_space<vmem>>) attributes {dimension_semantics = [#tpu.dimension_semantics<arbitrary>, #tpu.dimension_semantics<arbitrary>], iteration_bounds = array<i64: 10, 2>, scalar_prefetch = 0 : i64, scratch_operands = 0 : i64, tpu.core_type = #tpu.core_type<tc>, window_params = [{transform_indices = @transform_0, window_bounds = array<i64: 1000, 128>}, {transform_indices = @transform_1, window_bounds = array<i64: 64, 128>}, {transform_indices = @transform_2, window_bounds = array<i64: 1, 1, 64>}, {transform_indices = @transform_3, window_bounds = array<i64: 1000, 64>}]} {
    %get3A = arith.constant 0 : index
    %get3A_0 = arith.constant 0 : index
    %get3A_1 = vector.load %arg2[%get3A, %get3A_0] : memref<1000x128xf32, #tpu.memory_space<vmem>>, vector<1000x128xf32>
    %get3A_2 = arith.constant 0 : index
    %get3A_3 = arith.constant 0 : index
    %get3A_4 = vector.load %arg3[%get3A_2, %get3A_3] : memref<64x128xf32, #tpu.memory_space<vmem>>, vector<64x128xf32>
    %dot_general3A = arith.constant dense<0.000000e+00> : vector<1000x64xf32>
    %dot_general3A_5 = tpu.matmul %get3A_1, %get3A_4, %dot_general3A {dimension_numbers = #tpu.dot_dimension_numbers<[1], [1], [0], [0], [0, 0, 1, 0], [], []>, transpose_lhs_hint = false} : vector<1000x128xf32>, vector<64x128xf32>, vector<1000x64xf32> -> vector<1000x64xf32>
    %get3A_6 = arith.constant 0 : index
    %get3A_7 = arith.constant 0 : index
    %get3A_8 = arith.constant 0 : index
    %get3A_9 = vector.load %arg4[%get3A_6, %get3A_7, %get3A_8] : memref<1x1x64xf32, #tpu.memory_space<vmem>>, vector<1x1x64xf32>
    %get3A_10 = vector.shape_cast %get3A_9 : vector<1x1x64xf32> to vector<1x64xf32>
    %add3A = vector.broadcast %get3A_10 : vector<1x64xf32> to vector<1000x64xf32>
    %add3A_11 = arith.addf %dot_general3A_5, %add3A : vector<1000x64xf32>
    %swap3A = arith.constant 0 : index
    %swap3A_12 = arith.constant 0 : index
    %swap3A_13 = vector.load %arg5[%swap3A, %swap3A_12] : memref<1000x64xf32, #tpu.memory_space<vmem>>, vector<1000x64xf32>
    tpu.vector_store %arg5[%swap3A, %swap3A_12], %add3A_11 {strides = array<i32>} : memref<1000x64xf32, #tpu.memory_space<vmem>>, vector<1000x64xf32>,
    return
  }
  func.func @transform_0(%arg0: i32, %arg1: i32) -> (i32, i32) {
    %c0_i32 = arith.constant 0 : i32
    %c0_i32_0 = arith.constant 0 : i32
    return %arg0, %c0_i32 : i32, i32
  }
  func.func @transform_1(%arg0: i32, %arg1: i32) -> (i32, i32) {
    %c0_i32 = arith.constant 0 : i32
    %c0_i32_0 = arith.constant 0 : i32
    return %arg1, %c0_i32 : i32, i32
  }
  func.func @transform_2(%arg0: i32, %arg1: i32) -> (i32, i32, i32) {
    %c0_i32 = arith.constant 0 : i32
    %c0_i32_0 = arith.constant 0 : i32
    %c0_i32_1 = arith.constant 0 : i32
    return %arg1, %c0_i32, %c0_i32_0 : i32, i32, i32
  }
  func.func @transform_3(%arg0: i32, %arg1: i32) -> (i32, i32) {
    %mul3A = arith.constant 10 : i32
    %mul3A_0 = arith.muli %arg1, %mul3A : i32
    %add3A = arith.addi %mul3A_0, %arg0 : i32
    %c0_i32 = arith.constant 0 : i32
    %c0_i32_1 = arith.constant 0 : i32
    return %add3A, %c0_i32 : i32, i32
  }
}

</mosaic_0001>

<sc_bundles>
// kernel: kernel.4.cloned.1.call-start
scs
__scs_entry_jumppad:
0x0: {  	(pc) =	sbr.rel $0x88, $3  }
0x1: {  	(tag) =	ssettag $0x0;
	lr =	simm.s32 $0x1  }
0x2: {  	[smem:$0x3F9C] =	sst lr;
	_ =	strace $0xD0000000  }
0x3: {  	_ = 	snop  }
0x4: {  	_ = 	snop  }
0x5: {  	_ = 	snop  }
0x6: {  	_ = 	snop  }
0x7: {  	_ = 	snop  }
__scs_overlays_trampoline_lowered:
0x8: {  	[smem:$0x3FAB] =	sst s0  }
0x9: {  	[smem:$0x3FAC] =	sst s1  }
0xa: {  	[smem:$0x3FAD] =	sst s2  }
0xb: {  	[smem:$0x3FAE] =	sst s3  }
0xc: {  	[smem:$0x3FAF] =	sst s4  }
0xd: {  	[smem:$0x3FB0] =	sst s5  }
0xe: {  	[smem:$0x3FB1] =	sst s6  }
0xf: {  	[smem:$0x3FB2] =	sst s7  }
0x10: {  	[smem:$0x3FB3] =	sst s8  }
0x11: {  	[smem:$0x3FB4] =	sst s9;
	s0 =	simm.s32 @!p0 $0x0  }
0x12: {  	s1 =	sld [smem:$0x3F9A];
	s0 =	simm.s32 @p0 $0x1  }
0x13: {  	[smem:$0x3FB5] =	sst s0;
	s0 =	simm.s32 @!p1 $0x0  }
0x14: {  	s2 =	sld [smem:$0x3F99];
	s0 =	simm.s32 @p1 $0x1  }
0x15: {  	[smem:$0x3FB6] =	sst s0;
	s0 =	simm.s32 @!p2 $0x0  }
0x16: {  	s3 =	sld [smem:$0x3FDB];
	s0 =	simm.s32 @p2 $0x1  }
0x17: {  	s4 =	simm.s32 $0x1BF5;
	[smem:$0x3FB8] =	sst s0  }
0x18: {  	s0 =	sld [smem:$0x3F9B];
	_ =	swait.ge [sflag:s4], $0x0  }
0x19: {  	s7 =	sld [smem:$0x3F9C]  }
0x1a: {  	s8 =	sadd.s32 $0xFFFFE003, lr  }
0x1b: {  	s9 =	sadd.s32 $0xFFFFFEF7, lr;
	s5 =	simm.s32 $0xFFFFFFFF;
	p2 =	slt.u32 s8, $0xFFFFF086  }
0x1c: {  	p1 =	slt.u32 s9, $0xF7A;
	s5 =	simm.s32 @!p2 $0x0  }
0x1d: {  	s5 =	simm.s32 @p1 $0x1;
	p0 =	seq.s32 s7, s2  }
0x1e: {  	s7 =	smul.u32 @!p0 $0xF7A, s2;
	p2 =	seq.s32 @!p0 s5, $0x0  }
0x1f: {  	s9 =	smul.u32 $0xF7A, s1;
	s8 =	simm.s32 @!p0 $0x1BF5;
	p2 =	por !p2, p0  }
0x20: {  	[sflag:s8] =	ssyncset.s32 @!p0 $0xFFFFF086;
	s6 =	sadd.s32 @!p0 s3, s7;
	s7 =	simm.s32 @!p0 $0x108  }
0x21: {  	s3 =	sadd.s32 s3, s9;
	s6 =	sadd.s32 @!p0 $0x88, s6;
	s7 =	simm.s32 @p2 $0x1082  }
0x22: {  	[simem:s7], [sflag:s8] =	dma.local @!p0 [hbm:s6], $0xF7A  }
0x23: {  	s9 =	sor.u32 $0xD0000000, s2;
	s6 =	simm.s32 $0x108;
	_ =	swait.ge @!p0 [sflag:s8], $0x0  }
0x24: {  	s3 =	sadd.s32 $0x88, s3;
	s6 =	simm.s32 @!p1 $0x1082;
	[sflag:s4] =	ssyncset.s32 $0xFFFFF086  }
0x25: {  	[simem:s6], [sflag:s4] =	dma.local [hbm:s3], $0xF7A  }
0x26: {  	[smem:$0x3F9C] =	sst s1;
	(tag) =	ssettag s2;
	_ =	strace s9  }
0x27: {  	s1 =	sld [smem:$0x3FAC]  }
0x28: {  	s2 =	sld [smem:$0x3FAD]  }
0x29: {  	s4 =	sld [smem:$0x3FAF]  }
0x2a: {  	p0 =	seq.s32 s5, $0x0;
	s5 =	sld [smem:$0x3FB0]  }
0x2b: {  	s6 =	sld [smem:$0x3FB1]  }
0x2c: {  	s7 =	sld [smem:$0x3FB2]  }
0x2d: {  	s3 =	simm.s32 $0x108;
	s8 =	sld [smem:$0x3FB3]  }
0x2e: {  	s3 =	simm.s32 @!p0 $0x1082;
	s9 =	sld [smem:$0x3FB4]  }
0x2f: {  	lr =	sadd.s32 s0, s3;
	s0 =	sld [smem:$0x3FAB]  }
0x30: {  	s3 =	sld [smem:$0x3FAE]  }
0x31: {  	[smem:$0x3FB7] =	sst s10  }
0x32: {  	s10 =	sld [smem:$0x3FB5];
	_ =	sdelay $0x3  }
0x33: {  	p0 =	seq.s32 s10, $0x1;
	s10 =	sld [smem:$0x3FB7];
	_ =	sdelay $0x3  }
0x34: {  	[smem:$0x3FB7] =	sst s10  }
0x35: {  	s10 =	sld [smem:$0x3FB6];
	_ =	sdelay $0x3  }
0x36: {  	p1 =	seq.s32 s10, $0x1;
	s10 =	sld [smem:$0x3FB7];
	_ =	sdelay $0x3  }
0x37: {  	[smem:$0x3FB7] =	sst s10  }
0x38: {  	s10 =	sld [smem:$0x3FB8]  }
0x39: {  	_ = 	snop;
	(pc) =	sbr.ind lr, $3  }
0x3a: {  	_ = 	snop  }
0x3b: {  	_ = 	snop  }
0x3c: {  	p2 =	seq.s32 s10, $0x1;
	s10 =	sld [smem:$0x3FB7]  }
0x3d: {  	_ =	shalt  }
0x3e: {  	_ =	shalt  }
0x3f: {  	_ =	shalt  }
0x40: {  	_ =	shalt  }
0x41: {  	_ =	shalt  }
0x42: {  	_ =	shalt  }
0x43: {  	_ =	shalt  }
0x44: {  	_ =	shalt  }
0x45: {  	_ =	shalt  }
0x46: {  	_ =	shalt  }
0x47: {  	_ =	shalt  }
0x48: {  	_ =	shalt  }
0x49: {  	_ =	shalt  }
0x4a: {  	_ =	shalt  }
0x4b: {  	_ =	shalt  }
0x4c: {  	_ =	shalt  }
0x4d: {  	_ =	shalt  }
0x4e: {  	_ =	shalt  }
0x4f: {  	_ =	shalt  }
0x50: {  	_ =	shalt  }
0x51: {  	_ =	shalt  }
0x52: {  	_ =	shalt  }
0x53: {  	_ =	shalt  }
0x54: {  	_ =	shalt  }
0x55: {  	_ =	shalt  }
0x56: {  	_ =	shalt  }
0x57: {  	_ =	shalt  }
0x58: {  	_ =	shalt  }
0x59: {  	_ =	shalt  }
0x5a: {  	_ =	shalt  }
0x5b: {  	_ =	shalt  }
0x5c: {  	_ =	shalt  }
0x5d: {  	_ =	shalt  }
0x5e: {  	_ =	shalt  }
0x5f: {  	_ =	shalt  }
0x60: {  	_ =	shalt  }
0x61: {  	_ =	shalt  }
0x62: {  	_ =	shalt  }
0x63: {  	_ =	shalt  }
0x64: {  	_ =	shalt  }
0x65: {  	_ =	shalt  }
0x66: {  	_ =	shalt  }
0x67: {  	_ =	shalt  }
0x68: {  	_ =	shalt  }
0x69: {  	_ =	shalt  }
0x6a: {  	_ =	shalt  }
0x6b: {  	_ =	shalt  }
0x6c: {  	_ =	shalt  }
0x6d: {  	_ =	shalt  }
0x6e: {  	_ =	shalt  }
0x6f: {  	_ =	shalt  }
0x70: {  	_ =	shalt  }
0x71: {  	_ =	shalt  }
0x72: {  	_ =	shalt  }
0x73: {  	_ =	shalt  }
0x74: {  	_ =	shalt  }
0x75: {  	_ =	shalt  }
0x76: {  	_ =	shalt  }
0x77: {  	_ =	shalt  }
0x78: {  	_ =	shalt  }
0x79: {  	_ =	shalt  }
0x7a: {  	_ =	shalt  }
0x7b: {  	_ =	shalt  }
0x7c: {  	_ =	shalt  }
0x7d: {  	_ =	shalt  }
0x7e: {  	_ =	shalt  }
0x7f: {  	_ =	shalt  }
0x80: {  	_ =	shalt  }
0x81: {  	_ =	shalt  }
0x82: {  	_ =	shalt  }
0x83: {  	_ =	shalt  }
0x84: {  	_ =	shalt  }
0x85: {  	_ =	shalt  }
0x86: {  	_ =	shalt  }
0x87: {  	_ =	shalt  }
.Lfunc_end0:
.L_simem_size_0:
called_computation_lowered:
.L_overlay_start_0:
0x88: {  	s2 =	sld [smem:$0x3FD9]  }
0x89: {  	s3 =	sld [smem:$0x3FFE];
	_ =	sdelay $0x1  }
0x8a: {  	s1 =	srdreg.scid  }
0x8b: {  	s0 =	sand.u32 $0x1, s1  }
0x8c: {  	s17 =	sshll.u32 s0, $0xA;
	s2 =	sadd.s32 s3, s2  }
0x8d: {  	s2 =	sadd.s32 s2, s17  }
0x8e: {  	[smem:$0x3FC3] =	sst s2  }
0x8f: {  	_ = 	snop  }
0x90: {  	s2 =	sld [smem:$0x3FC7]  }
0x91: {  	s18 =	sld [smem:$0x3FD0];
	(tm) =	ssettm $0x1  }
0x92: {  	s4 =	sld [smem:$0x3FFB];
	_ =	sdelay $0x3  }
0x93: {  	_ =	strace s4  }
0x94: {  	s4 =	sld [smem:$0x3FFC];
	_ =	sdelay $0x3  }
0x95: {  	_ =	strace s4  }
0x96: {  	s4 =	sld [smem:$0x3FFD];
	_ =	sdelay $0x3  }
0x97: {  	_ =	strace s4  }
0x98: {  	_ =	strace $0x8FFFFFFF  }
0x99: {  	s19 =	sld [smem:$0x3FDB];
	_ =	sdelay $0x1  }
0x9a: {  	s5 =	simm.s32 $_scs_section_size  }
0x9b: {  	s6 =	simm.s32 $_size__tile_overlayer_lowered;
	s7 =	simm.s32 $_tile_overlayer_lowered  }
0x9c: {  	s22 =	simm.s32 $0x1BFF;
	s21 =	sshll.u32 s7, $0x1;
	s4 =	sadd.s32 s5, s19  }
0x9d: {  	s8 =	simm.s32 $0x0;
	s20 =	sshll.u32 s6, $0x1;
	s6 =	sadd.s32 s21, s4  }
0x9e: {  	[timem:s8], [sflag:s22] =	dma.local [hbm:s6], s20  }
0x9f: {  	_ =	swait.ge [sflag:s22], s20  }
0xa0: {  	s5 =	ssub.s32 $0x0, s20;
	[sflag:s22] =	ssyncset.done $0x0  }
0xa1: {  	[sflag:s22] =	ssyncadd.s32 s5;
	_ =	sdelay $0x1  }
0xa2: {  	s23 =	simm.s32 $0x1B8B  }
0xa3: {  	_ =	swait.ge [sflag:s23], $0x1  }
0xa4: {  	[sflag:s23] =	ssyncset.done $0x0  }
0xa5: {  	s25 =	simm.s32 $0x1B8E;
	s24 =	sld [smem:$0x3FFE];
	[sflag:s23] =	ssyncadd.s32 $0xFFFFFFFF  }
0xa6: {  	s26 =	simm.s32 $execute0_lowered;
	[smem:$0x3FD2] =	sst s25  }
0xa7: {  	s6 =	sshll.u32 s26, $0x1;
	_ =	strace $0x80000046;
	[dreg:$0x1] =	wrdreg $0xFFFFFFFF  }
0xa8: {  	s28 =	simm.s32 $_size_execute0_lowered;
	s4 =	sadd.s32 s4, s6;
	[dreg:$0x0] =	wrdreg $0x0  }
0xa9: {  	s6 =	sshll.u32 s28, $0x1;
	[dreg:$0x2] =	wrdreg s4  }
0xaa: {  	[dreg:$0x3] =	wrdreg s6  }
0xab: {  	[dreg:$0x4] =	wrdreg $0xC0  }
0xac: {  	_ =	task [dreg:s8], $0x5FFFF  }
0xad: {  	[dreg:$0x1] =	wrdreg $0xFFFFFFFF  }
0xae: {  	[dreg:$0x0] =	wrdreg $0x60  }
0xaf: {  	[dreg:$0x2] =	wrdreg s24  }
0xb0: {  	[dreg:$0x3] =	wrdreg s2  }
0xb1: {  	[dreg:$0x4] =	wrdreg s18  }
0xb2: {  	[dreg:$0x5] =	wrdreg $0x145A00  }
0xb3: {  	[dreg:$0x6] =	wrdreg $0x9  }
0xb4: {  	_ =	task.clear_ibuf [dreg:s8], $0x7FFFF;
	_ =	strace $0x90000046  }
0xb5: {  	s29 =	simm.s32 $0x9;
	_ =	strace $0x80000048  }
0xb6: {  	_ =	swait.ge [sflag:s29], $0x1  }
0xb7: {  	[sflag:s29] =	ssyncadd.s32 $0xFFFFFFFF  }
0xb8: {  	_ =	strace $0x90000048  }
0xb9: {  	_ =	sfence  }
0xba: {  	s30 =	sld [smem:$0x0];
	_ =	sdelay $0x2  }
0xbb: {  	s31 =	sshll.u32 s1, $0xD;
	s1 =	sshrl.u32 s1, $0x2  }
0xbc: {  	s3 =	sand.u32 $0x4000, s31;
	s1 =	sadd.s32 s1, s30  }
0xbd: {  	s0 =	sor.u32 s3, s0;
	s1 =	sshll.u32 s1, $0x11  }
0xbe: {  	s0 =	sor.u32 s1, s0  }
0xbf: {  	s0 =	sadd.s32 $0x8F2B, s0  }
0xc0: {  	[sflag:s0] =	ssyncadd.remote.s32 $0x1  }
0xc1: {  	_ =	sfence.sel $0xFFFF  }
0xc2: {  	[dreg:$0x0] =	wrdreg $0xFFFFFFFF;
	(pc) =	sbr.abs _section_cstart, $3  }
0xc3: {  	[dreg:$0x1] =	wrdreg $0xFFFFFFFF  }
0xc4: {  	_ =	task.clear_ibuf [dreg:s8], $0x2FFFF;
	_ =	strace $0x9FFFFFFF  }
0xc5: {  	(tm) =	ssettm $0x7FFFFFFF  }
tec
execute0_lowered:
.L_overlay_start_1:
0x0: {  	(tag) =	ssettag $0x1  }
0x1: {  	s0 =	rddreg [dreg:$0x0]  }
0x2: {  	s1 =	rddreg [dreg:$0x1]  }
0x3: {  	s13 =	rddreg [dreg:$0x2]  }
0x4: {  	s2 =	rddreg [dreg:$0x3];
	s3 =	simm.s32 $0x0;
	s8 =	stileid.u32  }
0x5: {  	s4 =	srdreg.scid;
	s17 =	simm.s32 $0x4E20;
	s19 =	simm.s32 $0x50  }
0x6: {  	s20 =	simm.s32 $0xEA60;
	s23 =	simm.s32 $0x11260;
	s24 =	simm.s32 $0x1  }
0x7: {  	s25 =	simm.s32 $0x4;
	s26 =	simm.s32 $0x2;
	s28 =	simm.s32 $0x5  }
0x8: {  	s29 =	simm.s32 $0x3;
	s30 =	simm.s32 $0x6;
	s5 =	smul.u32 $0x27100, s8  }
0x9: {  	s31 =	simm.s32 $0x8;
	[smem:$0x7FF] =	sst s3;
	s12 =	smul.u32 $0x9C4, s8  }
0xa: {  	s14 =	sand.u32 $0x1, s4;
	s4 =	sadd.s32 $0x200, s0;
	s11 =	smul.u32 $0x13880, s8  }
0xb: {  	_ =	strace $0x80000047;
	s6 =	ssub.s32 $0x2, s14;
	s16 =	sshll.u32 s14, $0x6  }
0xc: {  	s22 =	smul.u32 $0x2710, s14;
	s5 =	sshrl.u32 s5, $0x2;
	s0 =	sadd.s32 s12, s0  }
0xd: {  	s7 =	sshrl.u32 s6, $0x1;
	s16 =	sor.u32 s16, s11;
	s12 =	sadd.s32 s1, s12  }
0xe: {  	s5 =	sadd.s32 s5, s2;
	s15 =	ssub.s32 s6, s7;
	s10 =	sadd.s32 $0x31200, s0  }
0xf: {  	s11 =	sadd.s32 $0x27400, s0;
	s21 =	sshrl.u32 s16, $0x3;
	s16 =	simm.s32 $0x7  }
0x10: {  	v0 =	vmov s22;
	s22 =	simm.s32 $0x10;
	s6 =	sadd.s32 $0x1F40, s5;
	s7 =	sadd.s32 $0x3E80, s5  }
0x11: {  	s8 =	sadd.s32 $0x5DC0, s5;
	s9 =	sadd.s32 $0x7D00, s5;
	s13 =	sadd.s32 s13, s21  }
0x12: {  	v1 =	vimm.f32 $0.0e+00;
	s14 =	smax.u32 s15, $0x1;
	s15 =	simm.s32 $0x12660;
	s21 =	simm.s32 $0xFE60  }
.LBB2_1:
0x13: {  	s1 =	simm.s32 $0x100;
	s0 =	simm.s32 $0x0  }
.LBB2_2:
0x14: {  	p0 =	sne.s32 s1, $0x7C00;
	[tilespmem:s0+$0x12690] =	vst v1;
	s18 =	smov.u32 s1;
	s1 =	sadd.s32 $0x100, s1  }
.Ltmp0:
0x15: {  	[tilespmem:s0+$0x12680] =	vst v1;
	(pc) =	sbr.rel @p0 .LBB2_2-.Ltmp0, $3  }
0x16: {  	[tilespmem:s0+$0x12660] =	vst v1  }
0x17: {  	[tilespmem:s0+$0x12670] =	vst v1;
	_ =	sdelay $0x1  }
0x18: {  	s0 =	sshra.s32 s18, $0x2  }
0x19: {  	[tilespmem:s0+$0x12690] =	vst v1  }
0x1a: {  	[tilespmem:s0+$0x12680] =	vst v1  }
0x1b: {  	[tilespmem:s0+$0x12660] =	vst v1  }
0x1c: {  	[tilespmem:s0+$0x12670] =	vst v1  }
0x1d: {  	[spmem:s5] =	stream.linear.scatter [tilespmem:s15], [sflag:$0x7], $0x1F40, $0x38;
	[tilespmem:$0x1E1E0] =	vst v63  }
0x1e: {  	_ =	swait.ge [sflag:s16], $0x1F40  }
0x1f: {  	[sflag:s16] =	ssyncset.done $0x0  }
0x20: {  	[sflag:s16] =	ssyncadd.s32 $0xFFFFE0C0  }
0x21: {  	[spmem:s6] =	stream.linear.scatter [tilespmem:s15], [sflag:$0x7], $0x1F40, $0x38;
	[tilespmem:$0x1E1E0] =	vst v63  }
0x22: {  	_ =	swait.ge [sflag:s16], $0x1F40  }
0x23: {  	[sflag:s16] =	ssyncset.done $0x0  }
0x24: {  	[sflag:s16] =	ssyncadd.s32 $0xFFFFE0C0  }
0x25: {  	[spmem:s7] =	stream.linear.scatter [tilespmem:s15], [sflag:$0x7], $0x1F40, $0x38;
	[tilespmem:$0x1E1E0] =	vst v63  }
0x26: {  	_ =	swait.ge [sflag:s16], $0x1F40  }
0x27: {  	[sflag:s16] =	ssyncset.done $0x0  }
0x28: {  	[sflag:s16] =	ssyncadd.s32 $0xFFFFE0C0  }
0x29: {  	[spmem:s8] =	stream.linear.scatter [tilespmem:s15], [sflag:$0x7], $0x1F40, $0x38;
	[tilespmem:$0x1E1E0] =	vst v63  }
0x2a: {  	_ =	swait.ge [sflag:s16], $0x1F40  }
0x2b: {  	[sflag:s16] =	ssyncset.done $0x0  }
0x2c: {  	[sflag:s16] =	ssyncadd.s32 $0xFFFFE0C0  }
0x2d: {  	[spmem:s9] =	stream.linear.scatter [tilespmem:s15], [sflag:$0x7], $0x1F40, $0x38;
	[tilespmem:$0x1E1E0] =	vst v63  }
0x2e: {  	_ =	swait.ge [sflag:s16], $0x1F40  }
0x2f: {  	[sflag:s16] =	ssyncset.done $0x0  }
0x30: {  	s18 =	simm.s32 $0x0;
	[sflag:s16] =	ssyncadd.s32 $0xFFFFE0C0  }
0x31: {  	[tilespmem:s18], [sflag:$0x7] =	stream.linear.gather [hbm4b:s10+s18], $0x4E20, $0x38;
	[tilespmem:$0x1E1E0] =	vst v63  }
0x32: {  	_ =	swait.ge [sflag:s16], $0x4E20  }
0x33: {  	[sflag:s16] =	ssyncset.done $0x0  }
0x34: {  	[sflag:s16] =	ssyncadd.s32 $0xFFFFB1E0  }
0x35: {  	[tilespmem:s17], [sflag:$0x7] =	stream.linear.gather [hbm4b:s11+s18], $0x4E20, $0x38;
	[tilespmem:$0x1E1E0] =	vst v63  }
0x36: {  	_ =	swait.ge [sflag:s16], $0x4E20  }
0x37: {  	[sflag:s16] =	ssyncset.done $0x0  }
0x38: {  	s1 =	simm.s32 $0x9C40;
	[sflag:s16] =	ssyncadd.s32 $0xFFFFB1E0  }
0x39: {  	[tilespmem:s1], [sflag:$0x7] =	stream.linear.gather [hbm4b:s12+s18], $0x4E20, $0x38;
	[tilespmem:$0x1E1E0] =	vst v63  }
0x3a: {  	_ =	swait.ge [sflag:s16], $0x4E20  }
0x3b: {  	[sflag:s16] =	ssyncset.done $0x0  }
0x3c: {  	s0 =	simm.s32 $0x0;
	s1 =	simm.s32 $0x40;
	[sflag:s16] =	ssyncadd.s32 $0xFFFFB1E0  }
.LBB2_4:
0x3d: {  	p0 =	sne.s32 s1, $0x13840;
	v2 =	vld [tilespmem:s0+$0x0];
	_ =	sdelay $0x1  }
.Ltmp1:
0x3e: {  	(pc) =	sbr.rel @p0 .LBB2_4-.Ltmp1, $3  }
0x3f: {  	_ =	sdelay $0x1  }
0x40: {  	v2 =	vadd.s32 v0, v2  }
0x41: {  	[tilespmem:s0+$0x0] =	vst v2;
	s0 =	sshra.s32 s1, $0x2;
	s1 =	sadd.s32 $0x40, s1  }
0x42: {  	v2 =	vld [tilespmem:s0+$0x0];
	_ =	sdelay $0x4  }
0x43: {  	v2 =	vadd.s32 v0, v2  }
0x44: {  	[tilespmem:s0+$0x0] =	vst v2  }
0x45: {  	s18 =	simm.s32 $0x0;
	[bflag:$0x0] =	sbarrier.arrive $0xFFFF  }
0x46: {  	[tilespmem:s20], [sflag:$0x1] =	stream.indirect.gather [hbm4b:s4+s19], $0x40, s18, s19, $0xb8;
	[tilespmem:$0x1E1E0] =	vst v63  }
0x47: {  	_ = 	snop  }
0x48: {  	[tilespmem:s21], [sflag:$0x2] =	stream.indirect.gather [hbm4b:s4+s19], $0x40, s19, s19, $0xb8;
	[tilespmem:$0x1E1E0] =	vst v63  }
0x49: {  	s1 =	simm.s32 $0xA0  }
0x4a: {  	[tilespmem:s23], [sflag:$0x3] =	stream.indirect.gather [hbm4b:s4+s19], $0x40, s1, s19, $0xb8;
	[tilespmem:$0x1E1E0] =	vst v63  }
0x4b: {  	_ =	swait.ge [sflag:s24], $0x1400  }
0x4c: {  	[sflag:s24] =	ssyncset.done $0x0  }
0x4d: {  	[sflag:s24] =	ssyncadd.s32 $0xFFFFEC00  }
0x4e: {  	[spmem:s2] =	stream.indirect.scatter.add.f32 [tilespmem:s20], [sflag:$0x4], $0x40, s17, s19, $0xb8;
	[tilespmem:$0x1E1E0] =	vst v63  }
0x4f: {  	_ =	swait.ge [sflag:s25], $0x1400  }
0x50: {  	[sflag:s25] =	ssyncset.done $0x0  }
0x51: {  	s18 =	simm.s32 $0xF0;
	[sflag:s25] =	ssyncadd.s32 $0xFFFFEC00  }
0x52: {  	[tilespmem:s20], [sflag:$0x1] =	stream.indirect.gather [hbm4b:s4+s19], $0x40, s18, s19, $0xb8;
	[tilespmem:$0x1E1E0] =	vst v63  }
0x53: {  	_ =	swait.ge [sflag:s26], $0x1400  }
0x54: {  	[sflag:s26] =	ssyncset.done $0x0  }
0x55: {  	s1 =	simm.s32 $0x4E70;
	[sflag:s26] =	ssyncadd.s32 $0xFFFFEC00  }
0x56: {  	[spmem:s2] =	stream.indirect.scatter.add.f32 [tilespmem:s21], [sflag:$0x5], $0x40, s1, s19, $0xb8;
	[tilespmem:$0x1E1E0] =	vst v63  }
0x57: {  	_ =	swait.ge [sflag:s28], $0x1400  }
0x58: {  	[sflag:s28] =	ssyncset.done $0x0  }
0x59: {  	s18 =	simm.s32 $0x140;
	[sflag:s28] =	ssyncadd.s32 $0xFFFFEC00  }
0x5a: {  	[tilespmem:s21], [sflag:$0x2] =	stream.indirect.gather [hbm4b:s4+s19], $0x40, s18, s19, $0xb8;
	[tilespmem:$0x1E1E0] =	vst v63  }
0x5b: {  	_ =	swait.ge [sflag:s29], $0x1400  }
0x5c: {  	[sflag:s29] =	ssyncset.done $0x0  }
0x5d: {  	s1 =	simm.s32 $0x4EC0;
	[sflag:s29] =	ssyncadd.s32 $0xFFFFEC00  }
0x5e: {  	[spmem:s2] =	stream.indirect.scatter.add.f32 [tilespmem:s23], [sflag:$0x6], $0x40, s1, s19, $0xb8;
	[tilespmem:$0x1E1E0] =	vst v63  }
0x5f: {  	_ =	swait.ge [sflag:s30], $0x1400  }
0x60: {  	[sflag:s30] =	ssyncset.done $0x0  }
0x61: {  	s18 =	simm.s32 $0x190;
	[sflag:s30] =	ssyncadd.s32 $0xFFFFEC00  }
0x62: {  	[tilespmem:s23], [sflag:$0x3] =	stream.indirect.gather [hbm4b:s4+s19], $0x40, s18, s19, $0xb8;
	[tilespmem:$0x1E1E0] =	vst v63  }
0x63: {  	_ =	swait.ge [sflag:s24], $0x1400  }
0x64: {  	[sflag:s24] =	ssyncset.done $0x0  }
0x65: {  	s0 =	simm.s32 $0x3C0;
	s1 =	simm.s32 $0x4F10;
	[sflag:s24] =	ssyncadd.s32 $0xFFFFEC00  }
.LBB2_6:
0x66: {  	[spmem:s2] =	stream.indirect.scatter.add.f32 [tilespmem:s20], [sflag:$0x4], $0x40, s1, s19, $0xb8;
	[tilespmem:$0x1E1E0] =	vst v63  }
0x67: {  	s1 =	smov.u32 s0  }
0x68: {  	p0 =	sne.s32 s0, $0x12FC0;
	s0 =	sadd.s32 $0x3C0, s0;
	_ =	swait.ge [sflag:s25], $0x1400  }
0x69: {  	s1 =	sshra.s32 s1, $0x2;
	[sflag:s25] =	ssyncset.done $0x0  }
0x6a: {  	s18 =	sadd.s32 $0xF0, s1;
	[sflag:s25] =	ssyncadd.s32 $0xFFFFEC00  }
0x6b: {  	[tilespmem:s20], [sflag:$0x1] =	stream.indirect.gather [hbm4b:s4+s19], $0x40, s18, s19, $0xb8;
	[tilespmem:$0x1E1E0] =	vst v63  }
0x6c: {  	_ =	swait.ge [sflag:s26], $0x1400  }
0x6d: {  	[sflag:s26] =	ssyncset.done $0x0  }
0x6e: {  	s18 =	sadd.s32 $0x4E70, s1;
	[sflag:s26] =	ssyncadd.s32 $0xFFFFEC00  }
0x6f: {  	[spmem:s2] =	stream.indirect.scatter.add.f32 [tilespmem:s21], [sflag:$0x5], $0x40, s18, s19, $0xb8;
	[tilespmem:$0x1E1E0] =	vst v63  }
0x70: {  	_ =	swait.ge [sflag:s28], $0x1400  }
0x71: {  	[sflag:s28] =	ssyncset.done $0x0  }
0x72: {  	s18 =	sadd.s32 $0x140, s1;
	[sflag:s28] =	ssyncadd.s32 $0xFFFFEC00  }
0x73: {  	[tilespmem:s21], [sflag:$0x2] =	stream.indirect.gather [hbm4b:s4+s19], $0x40, s18, s19, $0xb8;
	[tilespmem:$0x1E1E0] =	vst v63  }
0x74: {  	_ =	swait.ge [sflag:s29], $0x1400  }
0x75: {  	[sflag:s29] =	ssyncset.done $0x0  }
0x76: {  	s18 =	sadd.s32 $0x4EC0, s1;
	[sflag:s29] =	ssyncadd.s32 $0xFFFFEC00  }
0x77: {  	[spmem:s2] =	stream.indirect.scatter.add.f32 [tilespmem:s23], [sflag:$0x6], $0x40, s18, s19, $0xb8;
	[tilespmem:$0x1E1E0] =	vst v63  }
0x78: {  	_ =	swait.ge [sflag:s30], $0x1400  }
0x79: {  	[sflag:s30] =	ssyncset.done $0x0  }
.Ltmp2:
0x7a: {  	s18 =	sadd.s32 $0x190, s1;
	[sflag:s30] =	ssyncadd.s32 $0xFFFFEC00;
	(pc) =	sbr.rel @p0 .LBB2_6-.Ltmp2, $4  }
0x7b: {  	[tilespmem:s23], [sflag:$0x3] =	stream.indirect.gather [hbm4b:s4+s19], $0x40, s18, s19, $0xb8;
	[tilespmem:$0x1E1E0] =	vst v63  }
0x7c: {  	_ =	swait.ge [sflag:s24], $0x1400  }
0x7d: {  	[sflag:s24] =	ssyncset.done $0x0  }
0x7e: {  	s1 =	sadd.s32 $0x4F10, s1;
	[sflag:s24] =	ssyncadd.s32 $0xFFFFEC00  }
0x7f: {  	[spmem:s2] =	stream.indirect.scatter.add.f32 [tilespmem:s20], [sflag:$0x4], $0x40, s1, s19, $0xb8;
	[tilespmem:$0x1E1E0] =	vst v63  }
0x80: {  	_ =	swait.ge [sflag:s25], $0x1400  }
0x81: {  	[sflag:s25] =	ssyncset.done $0x0  }
0x82: {  	s0 =	simm.s32 $0x4DD0;
	[sflag:s25] =	ssyncadd.s32 $0xFFFFEC00  }
0x83: {  	[tilespmem:s20], [sflag:$0x1] =	stream.indirect.gather [hbm4b:s4+s19], $0x40, s0, s19, $0xb8;
	[tilespmem:$0x1E1E0] =	vst v63  }
0x84: {  	_ =	swait.ge [sflag:s26], $0x1400  }
0x85: {  	[sflag:s26] =	ssyncset.done $0x0  }
0x86: {  	s18 =	simm.s32 $0x9B50;
	[sflag:s26] =	ssyncadd.s32 $0xFFFFEC00  }
0x87: {  	[spmem:s2] =	stream.indirect.scatter.add.f32 [tilespmem:s21], [sflag:$0x5], $0x40, s18, s19, $0xb8;
	[tilespmem:$0x1E1E0] =	vst v63  }
0x88: {  	_ =	swait.ge [sflag:s29], $0x1400  }
0x89: {  	[sflag:s29] =	ssyncset.done $0x0  }
0x8a: {  	s1 =	simm.s32 $0x9BA0;
	[sflag:s29] =	ssyncadd.s32 $0xFFFFEC00  }
0x8b: {  	[spmem:s2] =	stream.indirect.scatter.add.f32 [tilespmem:s23], [sflag:$0x6], $0x40, s1, s19, $0xb8;
	[tilespmem:$0x1E1E0] =	vst v63  }
0x8c: {  	_ =	swait.ge [sflag:s24], $0x1400  }
0x8d: {  	[sflag:s24] =	ssyncset.done $0x0  }
0x8e: {  	s18 =	simm.s32 $0x9BF0;
	[sflag:s24] =	ssyncadd.s32 $0xFFFFEC00  }
0x8f: {  	[spmem:s2] =	stream.indirect.scatter.add.f32 [tilespmem:s20], [sflag:$0x4], $0x40, s18, s19, $0xb8;
	[tilespmem:$0x1E1E0] =	vst v63  }
0x90: {  	_ =	swait.ge [sflag:s28], $0x1400  }
0x91: {  	[sflag:s28] =	ssyncset.done $0x0  }
0x92: {  	[sflag:s28] =	ssyncadd.s32 $0xFFFFEC00  }
0x93: {  	_ =	swait.ge [sflag:s30], $0x1400  }
0x94: {  	[sflag:s30] =	ssyncset.done $0x0  }
0x95: {  	[sflag:s30] =	ssyncadd.s32 $0xFFFFEC00  }
0x96: {  	s1 =	stileid.u32;
	_ =	swait.ge [sflag:s25], $0x1400  }
0x97: {  	s3 =	sadd.s32 $0x1, s3;
	s0 =	sshll.u32 s1, $0x6;
	[sflag:s25] =	ssyncset.done $0x0  }
0x98: {  	p0 =	sne.s32 s3, s14;
	s0 =	sor.u32 $0x1C07, s0;
	[sflag:s25] =	ssyncadd.s32 $0xFFFFEC00  }
.Ltmp3:
0x99: {  	s18 =	sshrl.u32 s5, $0x3;
	[bflag:$0x0] =	sbarrier.arrive $0xFFFF;
	(pc) =	sbr.rel @p0 .LBB2_1-.Ltmp3, $4  }
0x9a: {  	[hbm:s13@s22], [sflag:s0] =	dma.strided [spmem:s18@s31], $0x1388, s24, $0x8   }
0x9b: {  	_ =	swait.ge [sflag:s16], $0x1388  }
0x9c: {  	[sflag:s16] =	ssyncset.done $0x0  }
0x9d: {  	[sflag:s16] =	ssyncadd.s32 $0xFFFFEC78  }
0x9e: {  	_ =	sfence.sel $0x180000  }
0x9f: {  	[bflag:$0x0] =	sbarrier.arrive $0xFFFF  }
0xa0: {  	_ =	strace $0x90000047  }
0xa1: {  	s0 =	stileid.u32;
	[bflag:$0x2] =	sbarrier.arrive $0xFFFF  }
0xa2: {  	p0 =	sne.s32 s0, $0x0;
	s0 =	rddreg [dreg:$0x4]  }
0xa3: {  	s0 =	sadd.s32 @!p0 $0x100000, s0  }
0xa4: {  	[sflag:s0] =	ssyncadd.tile.s32 @!p0 $0x1;
	_ =	shalt  }
.Lfunc_end2:
_tile_overlayer_lowered:
.L_overlay_start_2:
0xa5: {  	(tag) =	ssettag $0x2  }
0xa6: {  	s0 =	rddreg [dreg:$0x0];
	s2 =	stileid.u32  }
0xa7: {  	s1 =	rddreg [dreg:$0x1];
	p0 =	sne.s32 s2, $0x0  }
0xa8: {  	s3 =	rddreg [dreg:$0x2];
	[bflag:$0x3] =	sbarrier.arrive $0xFFFF;
	s2 =	simm.s32 @!p0 $0x1C07  }
0xa9: {  	[timem:s3], [sflag:s2] =	dma.local @!p0 [hbm:s0], s1  }
0xaa: {  	s0 =	simm.s32 @!p0 $0x7  }
0xab: {  	_ =	swait.ge @!p0 [sflag:s0], s1  }
0xac: {  	s1 =	ssub.s32 @!p0 $0x0, s1;
	[sflag:s0] =	ssyncset.done @!p0 $0x0  }
0xad: {  	[sflag:s0] =	ssyncadd.s32 @!p0 s1  }
0xae: {  	[bflag:$0x3] =	sbarrier.arrive $0xFFFF  }
0xaf: {  	_ =	shalt  }

</sc_bundles>
